<compile_context>
chip_gen: v7x
topology: tpu7x:2x2x1
jax: 0.10.2.dev20260603
libtpu: 0.0.44.dev20260713+nightly
codegen_flags: <defaults>
</compile_context>

<pallas_src>
import functools

import jax
import jax.numpy as jnp
from jax import lax
from jax.experimental import pallas as pl
from jax.experimental.pallas import tpu as pltpu
from jax.experimental.pallas import tpu_sc as plsc

D = 128
G = 128
_CH = 128
_NC = 2
_NS = 16
_NW = _NC * _NS
_P = 1


def _sc_segment_sum(z, src_a, dst_a, src_b, dst_b, zeros, n_acc):
    na = src_a.shape[1]
    nb = src_b.shape[1]
    nmax = max(na, nb)
    rows_per_tile = n_acc // _NS
    mesh = plsc.VectorSubcoreMesh(core_axis_name="c", subcore_axis_name="s")

    @functools.partial(
        pl.kernel,
        mesh=mesh,
        out_type=jax.ShapeDtypeStruct((_NC, n_acc, D), jnp.float32),
        scratch_types=[
            pltpu.VMEM((nmax, _CH), jnp.int32),
            pltpu.VMEM((nmax, _CH), jnp.int32),
            pltpu.VMEM((_CH, D), jnp.float32),
            pltpu.VMEM_SHARED((n_acc, D), jnp.float32),
            pltpu.SemaphoreType.DMA,
            pltpu.SemaphoreType.DMA,
        ],
    )
    def k(z_hbm, srca_hbm, dsta_hbm, srcb_hbm, dstb_hbm, zero_hbm, out_hbm,
          src_v, dst_v, buf, acc, gsem, ssem):
        c = lax.axis_index("c")
        s = lax.axis_index("s")
        r0 = s * rows_per_tile
        pltpu.sync_copy(zero_hbm.at[pl.ds(r0, rows_per_tile)],
                        acc.at[pl.ds(r0, rows_per_tile)])
        plsc.subcore_barrier()

        def g_start(j):
            pltpu.async_copy(z_hbm.at[src_v.at[j]], buf, gsem)

        def g_wait(j):
            pltpu.make_async_copy(z_hbm.at[src_v.at[j]], buf, gsem).wait()

        def s_start(j):
            pltpu.async_copy(buf, acc.at[dst_v.at[j]], ssem, add=True)

        def s_wait(j):
            pltpu.make_async_copy(buf, acc.at[dst_v.at[j]], ssem).wait()

        def run(src_h, dst_h, nck):
            pltpu.sync_copy(src_h.at[s], src_v.at[pl.ds(0, nck)])
            pltpu.sync_copy(dst_h.at[s], dst_v.at[pl.ds(0, nck)])
            g_start(0)

            def body(j, carry):
                g_wait(j)
                s_start(j)
                s_wait(j)
                g_start(j + 1)
                return carry

            lax.fori_loop(0, nck - 1, body, 0)
            g_wait(nck - 1)
            s_start(nck - 1)
            s_wait(nck - 1)

        @pl.when(c == 0)
        def _():
            run(srca_hbm, dsta_hbm, na)

        @pl.when(c == 1)
        def _():
            run(srcb_hbm, dstb_hbm, nb)

        plsc.subcore_barrier()
        pltpu.sync_copy(acc.at[pl.ds(r0, rows_per_tile)],
                        out_hbm.at[c, pl.ds(r0, rows_per_tile)])

    return k(z, src_a, dst_a, src_b, dst_b, zeros)


def _tc_layer(z, agg, batch2d, w1, b1, w2, b2, gamma, beta, n):

    def body(z_ref, agg_ref, batch_ref, w1_ref, b1_ref, w2_ref, b2_ref,
             gm_ref, bt_ref, z_out, g_out):
        h = z_ref[...] + agg_ref[0, :n, :] + agg_ref[1, :n, :]
        h = jnp.maximum(
            jnp.dot(h, w1_ref[...], preferred_element_type=jnp.float32)
            + b1_ref[...], 0.0)
        h = jnp.dot(h, w2_ref[...], preferred_element_type=jnp.float32) + b2_ref[...]
        h = jnp.maximum(h, 0.0)
        mean = jnp.mean(h, axis=0, keepdims=True)
        hc = h - mean
        var = jnp.mean(hc * hc, axis=0, keepdims=True)
        hn = hc * lax.rsqrt(var + 1e-5) * gm_ref[...] + bt_ref[...]
        z_out[...] = hn
        onehot = (batch_ref[...] == lax.broadcasted_iota(jnp.int32, (n, G), 1)
                  ).astype(jnp.float32)
        g_out[...] = lax.dot_general(onehot, hn, (((0,), (0,)), ((), ())),
                                     preferred_element_type=jnp.float32)

    return pl.pallas_call(
        body,
        out_shape=[
            jax.ShapeDtypeStruct((n, D), jnp.float32),
            jax.ShapeDtypeStruct((G, D), jnp.float32),
        ],
    )(z, agg, batch2d, w1, b1, w2, b2, gamma, beta)


def kernel(x, edge_index, batch,
           w1_0, b1_0, w2_0, b2_0, gamma_0, beta_0,
           w1_1, b1_1, w2_1, b2_1, gamma_1, beta_1,
           w1_2, b1_2, w2_2, b2_2, gamma_2, beta_2):
    n = x.shape[0]
    e = edge_index.shape[1]
    frac = 0.60
    total_chunks = -(-e // (_NS * _CH))
    na = max(1, min(total_chunks - 1, round(frac * e / (_NS * _CH)) - 2))
    nb = total_chunks - na + (1 if total_chunks * _NS * _CH < e else 0)
    while _NS * _CH * (na + nb) < e:
        nb += 1
    ea = _NS * _CH * na
    e_pad = _NS * _CH * (na + nb)
    n_acc = -(-(n + 1) // (_NS * 8)) * (_NS * 8)
    pad = e_pad - e
    src_all = jnp.concatenate([edge_index[0], jnp.zeros((pad,), jnp.int32)])
    dst_all = jnp.concatenate(
        [edge_index[1], n + jnp.arange(pad, dtype=jnp.int32) % (n_acc - n)])
    src_a = src_all[:ea].reshape(_NS, na, _CH)
    dst_a = dst_all[:ea].reshape(_NS, na, _CH)
    src_b = src_all[ea:].reshape(_NS, nb, _CH)
    dst_b = dst_all[ea:].reshape(_NS, nb, _CH)
    zeros = jnp.zeros((n_acc, D), jnp.float32)
    batch2d = batch.reshape(n, 1)

    params = [
        (w1_0, b1_0, w2_0, b2_0, gamma_0, beta_0),
        (w1_1, b1_1, w2_1, b2_1, gamma_1, beta_1),
        (w1_2, b1_2, w2_2, b2_2, gamma_2, beta_2),
    ]
    z = x
    zs, gs = [], []
    for (w1, b1, w2, b2, gamma, beta) in params:
        agg = _sc_segment_sum(z, src_a, dst_a, src_b, dst_b, zeros, n_acc)
        z, gp = _tc_layer(z, agg, batch2d, w1, b1.reshape(1, D), w2,
                          b2.reshape(1, D), gamma.reshape(1, D),
                          beta.reshape(1, D), n)
        zs.append(z)
        gs.append(gp)
    return jnp.concatenate(zs, axis=1), jnp.concatenate(gs, axis=1)

# --- scband reference (transcript-rebuilt; emitter-appended) ---
"""Pipeline reference for scband-gconv-1279900254466 (READ-ONLY COPY).

The authoritative reference and input builder live on the scoring server;
editing this copy changes nothing except your own understanding.
"""

import jax, jax.numpy as jnp
import numpy as np

N = 10000
E = 320000
D = 128
H = 128
L = 3
G = 128


def setup_inputs(seed: int = 0) -> dict:
    key = jax.random.key(seed)
    ks = jax.random.split(key, 16)
    inp = {}
    inp["x"] = jax.random.normal(ks[0], (N, D), dtype=jnp.float32)
    inp["edge_index"] = jax.random.randint(ks[1], (2, E), 0, N, dtype=jnp.int32)
    inp["batch"] = jnp.sort(jax.random.randint(ks[2], (N,), 0, G, dtype=jnp.int32))
    kidx = 3
    for i in range(L):
        din = D if i == 0 else H
        s1 = 1.0 / np.sqrt(din)
        s2 = 1.0 / np.sqrt(H)
        inp[f"w1_{i}"] = jax.random.uniform(ks[kidx + 0], (din, H), minval=-s1, maxval=s1, dtype=jnp.float32)
        inp[f"b1_{i}"] = jax.random.uniform(ks[kidx + 1], (H,), minval=-s1, maxval=s1, dtype=jnp.float32)
        inp[f"w2_{i}"] = jax.random.uniform(ks[kidx + 2], (H, H), minval=-s2, maxval=s2, dtype=jnp.float32)
        inp[f"b2_{i}"] = jax.random.uniform(ks[kidx + 3], (H,), minval=-s2, maxval=s2, dtype=jnp.float32)
        inp[f"gamma_{i}"] = jnp.ones((H,), dtype=jnp.float32)
        inp[f"beta_{i}"] = jnp.zeros((H,), dtype=jnp.float32)
        kidx += 4
    return inp


def _gconv_forward(x, edge_index, batch, params):
    src = edge_index[0]
    dst = edge_index[1]
    z = x
    zs = []
    for (w1, b1, w2, b2, gamma, beta) in params:
        # GINConv (eps=0): nn(x + sum_{j in N(i)} x_j)
        agg = jax.ops.segment_sum(z[src], dst, num_segments=z.shape[0])
        h = z + agg
        h = jax.nn.relu(h @ w1 + b1) @ w2 + b2
        # post-conv ReLU
        h = jax.nn.relu(h)
        # BatchNorm1d in training mode (batch statistics, biased variance)
        mean = jnp.mean(h, axis=0)
        var = jnp.var(h, axis=0)
        h = (h - mean) / jnp.sqrt(var + 1e-5) * gamma + beta
        zs.append(h)
        z = h
    gs = [jax.ops.segment_sum(zz, batch, num_segments=G) for zz in zs]
    z_out = jnp.concatenate(zs, axis=1)
    g_out = jnp.concatenate(gs, axis=1)
    return z_out, g_out


def reference(x, edge_index, batch,
              w1_0, b1_0, w2_0, b2_0, gamma_0, beta_0,
              w1_1, b1_1, w2_1, b2_1, gamma_1, beta_1,
              w1_2, b1_2, w2_2, b2_2, gamma_2, beta_2):
    params = [
        (w1_0, b1_0, w2_0, b2_0, gamma_0, beta_0),
        (w1_1, b1_1, w2_1, b2_1, gamma_1, beta_1),
        (w1_2, b1_2, w2_2, b2_2, gamma_2, beta_2),
    ]
    return _gconv_forward(x, edge_index, batch, params)

if __name__ == "__main__":
    import jax
    _d = setup_inputs()
    print(jax.jit(kernel)(*tuple(_d.values())))

</pallas_src>

<mosaic_0001>
#map = affine_map<(d0, d1) -> (0, 0)>
#map1 = affine_map<(d0, d1) -> (0, 0, 0)>
module attributes {stable_mosaic.version = 14 : i64} {
  func.func @k(%arg0: i32, %arg1: i32, %arg2: memref<10000x128xf32, #tpu.memory_space<hbm>>, %arg3: memref<16x92x128xi32, #tpu.memory_space<hbm>>, %arg4: memref<16x92x128xi32, #tpu.memory_space<hbm>>, %arg5: memref<16x65x128xi32, #tpu.memory_space<hbm>>, %arg6: memref<16x65x128xi32, #tpu.memory_space<hbm>>, %arg7: memref<10112x128xf32, #tpu.memory_space<hbm>>, %arg8: memref<2x10112x128xf32, #tpu.memory_space<hbm>>, %arg9: memref<92x128xi32, #tpu.memory_space<vmem>>, %arg10: memref<92x128xi32, #tpu.memory_space<vmem>>, %arg11: memref<128x128xf32, #tpu.memory_space<vmem>>, %arg12: memref<10112x128xf32, #tpu.memory_space<vmem_shared>>, %arg13: memref<!tpu.dma_semaphore, #tpu.memory_space<semaphore_mem>>, %arg14: memref<!tpu.dma_semaphore, #tpu.memory_space<semaphore_mem>>) attributes {dimension_semantics = [#tpu.dimension_semantics<core_parallel>, #tpu.dimension_semantics<subcore_parallel>], iteration_bounds = array<i64: 2, 16>, scalar_prefetch = 0 : i64, scratch_operands = 6 : i64, tpu.core_type = #tpu.core_type<sc_vector_subcore>, window_params = [{transform_indices = #map}, {transform_indices = #map1}, {transform_indices = #map1}, {transform_indices = #map1}, {transform_indices = #map1}, {transform_indices = #map}, {transform_indices = #map1}]} {
    %mul3A = arith.constant 632 : i32
    %mul3A_0 = arith.muli %arg1, %mul3A : i32
    "tpu.region"() ({
      %run_scoped3A = tpu.sem_alloc : memref<!tpu.dma_semaphore, #tpu.memory_space<semaphore_mem>>
      %dma_start3A = arith.constant 0 : i32
      %dma_start3A_9 = tpu.memref_slice %arg12[%mul3A_0, %dma_start3A] : memref<10112x128xf32, #tpu.memory_space<vmem_shared>> -> memref<632x128xf32, #tpu.memory_space<vmem_shared>>
      %dma_start3A_10 = arith.constant 0 : i32
      %dma_start3A_11 = tpu.memref_slice %arg7[%mul3A_0, %dma_start3A_10] : memref<10112x128xf32, #tpu.memory_space<hbm>> -> memref<632x128xf32, #tpu.memory_space<hbm>>
      tpu.enqueue_dma source(%dma_start3A_11 : memref<632x128xf32, #tpu.memory_space<hbm>>) target(%dma_start3A_9 : memref<632x128xf32, #tpu.memory_space<vmem_shared>>) target_semaphore(%run_scoped3A : memref<!tpu.dma_semaphore, #tpu.memory_space<semaphore_mem>>)
      %dma_wait3A = arith.constant 0 : i32
      %dma_wait3A_12 = tpu.memref_slice %arg12[%mul3A_0, %dma_wait3A] : memref<10112x128xf32, #tpu.memory_space<vmem_shared>> -> memref<632x128xf32, #tpu.memory_space<vmem_shared>>
      %dma_wait3A_13 = arith.constant 0 : i32
      %dma_wait3A_14 = tpu.memref_slice %arg7[%mul3A_0, %dma_wait3A_13] : memref<10112x128xf32, #tpu.memory_space<hbm>> -> memref<632x128xf32, #tpu.memory_space<hbm>>
      tpu.wait_dma2 semaphore(%run_scoped3A : memref<!tpu.dma_semaphore, #tpu.memory_space<semaphore_mem>>) src(%dma_wait3A_14 : memref<632x128xf32, #tpu.memory_space<hbm>>) dst(%dma_wait3A_12 : memref<632x128xf32, #tpu.memory_space<vmem_shared>>)
      tpu.yield
    }) : () -> ()
    %barrier3A = arith.constant 0 : index
    tpu.barrier barrier_id(%barrier3A)
    %eq3A = arith.constant 0 : i32
    %eq3A_1 = arith.cmpi eq, %arg0, %eq3A : i32
    %convert_element_type3A = arith.extui %eq3A_1 : i1 to i32
    %cond3A = arith.constant 0 : i32
    %cond3A_2 = arith.cmpi ne, %convert_element_type3A, %cond3A : i32
    scf.if %cond3A_2 {
      "tpu.region"() ({
        %run_scoped3A = tpu.sem_alloc : memref<!tpu.dma_semaphore, #tpu.memory_space<semaphore_mem>>
        %dma_start3A_40 = arith.constant 0 : i32
        %dma_start3A_41 = arith.constant 0 : i32
        %dma_start3A_42 = tpu.memref_slice %arg9[%dma_start3A_40, %dma_start3A_41] : memref<92x128xi32, #tpu.memory_space<vmem>> -> memref<92x128xi32, #tpu.memory_space<vmem>>
        %dma_start3A_43 = arith.constant 0 : i32
        %dma_start3A_44 = arith.constant 0 : i32
        %dma_start3A_45 = tpu.memref_slice %arg3[%arg1, %dma_start3A_43, %dma_start3A_44] : memref<16x92x128xi32, #tpu.memory_space<hbm>> -> memref<1x92x128xi32, #tpu.memory_space<hbm>>
        %dma_start3A_46 = tpu.memref_squeeze %dma_start3A_45 : memref<1x92x128xi32, #tpu.memory_space<hbm>> -> memref<92x128xi32, #tpu.memory_space<hbm>>
        %dma_start3A_47 = arith.constant 0 : i32
        %dma_start3A_48 = arith.constant 0 : i32
        %dma_start3A_49 = tpu.memref_slice %arg9[%dma_start3A_47, %dma_start3A_48] : memref<92x128xi32, #tpu.memory_space<vmem>> -> memref<92x128xi32, #tpu.memory_space<vmem>>
        %dma_start3A_50 = arith.constant 0 : i32
        %dma_start3A_51 = arith.constant 0 : i32
        %dma_start3A_52 = tpu.memref_slice %arg3[%arg1, %dma_start3A_50, %dma_start3A_51] : memref<16x92x128xi32, #tpu.memory_space<hbm>> -> memref<1x92x128xi32, #tpu.memory_space<hbm>>
        %dma_start3A_53 = tpu.memref_squeeze %dma_start3A_52 : memref<1x92x128xi32, #tpu.memory_space<hbm>> -> memref<92x128xi32, #tpu.memory_space<hbm>>
        tpu.enqueue_dma source(%dma_start3A_53 : memref<92x128xi32, #tpu.memory_space<hbm>>) target(%dma_start3A_49 : memref<92x128xi32, #tpu.memory_space<vmem>>) target_semaphore(%run_scoped3A : memref<!tpu.dma_semaphore, #tpu.memory_space<semaphore_mem>>)
        %dma_wait3A_54 = arith.constant 0 : i32
        %dma_wait3A_55 = arith.constant 0 : i32
        %dma_wait3A_56 = tpu.memref_slice %arg9[%dma_wait3A_54, %dma_wait3A_55] : memref<92x128xi32, #tpu.memory_space<vmem>> -> memref<92x128xi32, #tpu.memory_space<vmem>>
        %dma_wait3A_57 = arith.constant 0 : i32
        %dma_wait3A_58 = arith.constant 0 : i32
        %dma_wait3A_59 = tpu.memref_slice %arg3[%arg1, %dma_wait3A_57, %dma_wait3A_58] : memref<16x92x128xi32, #tpu.memory_space<hbm>> -> memref<1x92x128xi32, #tpu.memory_space<hbm>>
        %dma_wait3A_60 = tpu.memref_squeeze %dma_wait3A_59 : memref<1x92x128xi32, #tpu.memory_space<hbm>> -> memref<92x128xi32, #tpu.memory_space<hbm>>
        %dma_wait3A_61 = arith.constant 0 : i32
        %dma_wait3A_62 = arith.constant 0 : i32
        %dma_wait3A_63 = tpu.memref_slice %arg9[%dma_wait3A_61, %dma_wait3A_62] : memref<92x128xi32, #tpu.memory_space<vmem>> -> memref<92x128xi32, #tpu.memory_space<vmem>>
        %dma_wait3A_64 = arith.constant 0 : i32
        %dma_wait3A_65 = arith.constant 0 : i32
        %dma_wait3A_66 = tpu.memref_slice %arg3[%arg1, %dma_wait3A_64, %dma_wait3A_65] : memref<16x92x128xi32, #tpu.memory_space<hbm>> -> memref<1x92x128xi32, #tpu.memory_space<hbm>>
        %dma_wait3A_67 = tpu.memref_squeeze %dma_wait3A_66 : memref<1x92x128xi32, #tpu.memory_space<hbm>> -> memref<92x128xi32, #tpu.memory_space<hbm>>
        tpu.wait_dma2 semaphore(%run_scoped3A : memref<!tpu.dma_semaphore, #tpu.memory_space<semaphore_mem>>) src(%dma_wait3A_67 : memref<92x128xi32, #tpu.memory_space<hbm>>) dst(%dma_wait3A_63 : memref<92x128xi32, #tpu.memory_space<vmem>>)
        tpu.yield
      }) : () -> ()
      "tpu.region"() ({
        %run_scoped3A = tpu.sem_alloc : memref<!tpu.dma_semaphore, #tpu.memory_space<semaphore_mem>>
        %dma_start3A_40 = arith.constant 0 : i32
        %dma_start3A_41 = arith.constant 0 : i32
        %dma_start3A_42 = tpu.memref_slice %arg10[%dma_start3A_40, %dma_start3A_41] : memref<92x128xi32, #tpu.memory_space<vmem>> -> memref<92x128xi32, #tpu.memory_space<vmem>>
        %dma_start3A_43 = arith.constant 0 : i32
        %dma_start3A_44 = arith.constant 0 : i32
        %dma_start3A_45 = tpu.memref_slice %arg4[%arg1, %dma_start3A_43, %dma_start3A_44] : memref<16x92x128xi32, #tpu.memory_space<hbm>> -> memref<1x92x128xi32, #tpu.memory_space<hbm>>
        %dma_start3A_46 = tpu.memref_squeeze %dma_start3A_45 : memref<1x92x128xi32, #tpu.memory_space<hbm>> -> memref<92x128xi32, #tpu.memory_space<hbm>>
        %dma_start3A_47 = arith.constant 0 : i32
        %dma_start3A_48 = arith.constant 0 : i32
        %dma_start3A_49 = tpu.memref_slice %arg10[%dma_start3A_47, %dma_start3A_48] : memref<92x128xi32, #tpu.memory_space<vmem>> -> memref<92x128xi32, #tpu.memory_space<vmem>>
        %dma_start3A_50 = arith.constant 0 : i32
        %dma_start3A_51 = arith.constant 0 : i32
        %dma_start3A_52 = tpu.memref_slice %arg4[%arg1, %dma_start3A_50, %dma_start3A_51] : memref<16x92x128xi32, #tpu.memory_space<hbm>> -> memref<1x92x128xi32, #tpu.memory_space<hbm>>
        %dma_start3A_53 = tpu.memref_squeeze %dma_start3A_52 : memref<1x92x128xi32, #tpu.memory_space<hbm>> -> memref<92x128xi32, #tpu.memory_space<hbm>>
        tpu.enqueue_dma source(%dma_start3A_53 : memref<92x128xi32, #tpu.memory_space<hbm>>) target(%dma_start3A_49 : memref<92x128xi32, #tpu.memory_space<vmem>>) target_semaphore(%run_scoped3A : memref<!tpu.dma_semaphore, #tpu.memory_space<semaphore_mem>>)
        %dma_wait3A_54 = arith.constant 0 : i32
        %dma_wait3A_55 = arith.constant 0 : i32
        %dma_wait3A_56 = tpu.memref_slice %arg10[%dma_wait3A_54, %dma_wait3A_55] : memref<92x128xi32, #tpu.memory_space<vmem>> -> memref<92x128xi32, #tpu.memory_space<vmem>>
        %dma_wait3A_57 = arith.constant 0 : i32
        %dma_wait3A_58 = arith.constant 0 : i32
        %dma_wait3A_59 = tpu.memref_slice %arg4[%arg1, %dma_wait3A_57, %dma_wait3A_58] : memref<16x92x128xi32, #tpu.memory_space<hbm>> -> memref<1x92x128xi32, #tpu.memory_space<hbm>>
        %dma_wait3A_60 = tpu.memref_squeeze %dma_wait3A_59 : memref<1x92x128xi32, #tpu.memory_space<hbm>> -> memref<92x128xi32, #tpu.memory_space<hbm>>
        %dma_wait3A_61 = arith.constant 0 : i32
        %dma_wait3A_62 = arith.constant 0 : i32
        %dma_wait3A_63 = tpu.memref_slice %arg10[%dma_wait3A_61, %dma_wait3A_62] : memref<92x128xi32, #tpu.memory_space<vmem>> -> memref<92x128xi32, #tpu.memory_space<vmem>>
        %dma_wait3A_64 = arith.constant 0 : i32
        %dma_wait3A_65 = arith.constant 0 : i32
        %dma_wait3A_66 = tpu.memref_slice %arg4[%arg1, %dma_wait3A_64, %dma_wait3A_65] : memref<16x92x128xi32, #tpu.memory_space<hbm>> -> memref<1x92x128xi32, #tpu.memory_space<hbm>>
        %dma_wait3A_67 = tpu.memref_squeeze %dma_wait3A_66 : memref<1x92x128xi32, #tpu.memory_space<hbm>> -> memref<92x128xi32, #tpu.memory_space<hbm>>
        tpu.wait_dma2 semaphore(%run_scoped3A : memref<!tpu.dma_semaphore, #tpu.memory_space<semaphore_mem>>) src(%dma_wait3A_67 : memref<92x128xi32, #tpu.memory_space<hbm>>) dst(%dma_wait3A_63 : memref<92x128xi32, #tpu.memory_space<vmem>>)
        tpu.yield
      }) : () -> ()
      %dma_start3A = arith.constant 0 : i32
      %dma_start3A_9 = arith.constant 0 : i32
      %dma_start3A_10 = tpu.memref_slice %arg9[%dma_start3A, %dma_start3A_9] : memref<92x128xi32, #tpu.memory_space<vmem>> -> memref<1x128xi32, #tpu.memory_space<vmem>>
      %dma_start3A_11 = tpu.memref_squeeze %dma_start3A_10 : memref<1x128xi32, #tpu.memory_space<vmem>> -> memref<128xi32, #tpu.memory_space<vmem>>
      %dma_start3A_12 = arith.constant 0 : i32
      %dma_start3A_13 = arith.constant 0 : i32
      %dma_start3A_14 = tpu.memref_slice %arg2[%dma_start3A_12, %dma_start3A_13] : memref<10000x128xf32, #tpu.memory_space<hbm>> -> memref<10000x128xf32, #tpu.memory_space<hbm>>
      tpu.enqueue_indirect_dma source(%dma_start3A_14 : memref<10000x128xf32, #tpu.memory_space<hbm>>) target(%arg11 : memref<128x128xf32, #tpu.memory_space<vmem>>) offsets(%dma_start3A_11 : memref<128xi32, #tpu.memory_space<vmem>>) semaphore(%arg13 : memref<!tpu.dma_semaphore, #tpu.memory_space<semaphore_mem>>)
      %scan3A = arith.constant 0 : i32
      %scan3A_15 = arith.constant 0 : i32
      %scan3A_16 = arith.constant 91 : i32
      %scan3A_17 = arith.addi %scan3A_15, %scan3A_16 : i32
      %scan3A_18 = arith.constant 1 : i32
      scf.for %scan3A_40 = %scan3A_15 to %scan3A_17 step %scan3A_18  : i32 {
        %dma_wait3A_41 = arith.constant 0 : i32
        %dma_wait3A_42 = tpu.memref_slice %arg9[%scan3A_40, %dma_wait3A_41] : memref<92x128xi32, #tpu.memory_space<vmem>> -> memref<1x128xi32, #tpu.memory_space<vmem>>
        %dma_wait3A_43 = tpu.memref_squeeze %dma_wait3A_42 : memref<1x128xi32, #tpu.memory_space<vmem>> -> memref<128xi32, #tpu.memory_space<vmem>>
        %dma_wait3A_44 = arith.constant 0 : i32
        %dma_wait3A_45 = arith.constant 0 : i32
        %dma_wait3A_46 = tpu.memref_slice %arg2[%dma_wait3A_44, %dma_wait3A_45] : memref<10000x128xf32, #tpu.memory_space<hbm>> -> memref<10000x128xf32, #tpu.memory_space<hbm>>
        tpu.wait_indirect_dma semaphore(%arg13 : memref<!tpu.dma_semaphore, #tpu.memory_space<semaphore_mem>>) src(%dma_wait3A_46 : memref<10000x128xf32, #tpu.memory_space<hbm>>) dst(%arg11 : memref<128x128xf32, #tpu.memory_space<vmem>>)
        %dma_start3A_47 = arith.constant 0 : i32
        %dma_start3A_48 = tpu.memref_slice %arg10[%scan3A_40, %dma_start3A_47] : memref<92x128xi32, #tpu.memory_space<vmem>> -> memref<1x128xi32, #tpu.memory_space<vmem>>
        %dma_start3A_49 = tpu.memref_squeeze %dma_start3A_48 : memref<1x128xi32, #tpu.memory_space<vmem>> -> memref<128xi32, #tpu.memory_space<vmem>>
        %dma_start3A_50 = arith.constant 0 : i32
        %dma_start3A_51 = arith.constant 0 : i32
        %dma_start3A_52 = tpu.memref_slice %arg12[%dma_start3A_50, %dma_start3A_51] : memref<10112x128xf32, #tpu.memory_space<vmem_shared>> -> memref<10112x128xf32, #tpu.memory_space<vmem_shared>>
        tpu.enqueue_indirect_dma source(%arg11 : memref<128x128xf32, #tpu.memory_space<vmem>>) target(%dma_start3A_52 : memref<10112x128xf32, #tpu.memory_space<vmem_shared>>) offsets(%dma_start3A_49 : memref<128xi32, #tpu.memory_space<vmem>>) semaphore(%arg14 : memref<!tpu.dma_semaphore, #tpu.memory_space<semaphore_mem>>) {add = true}
        %dma_wait3A_53 = arith.constant 0 : i32
        %dma_wait3A_54 = tpu.memref_slice %arg10[%scan3A_40, %dma_wait3A_53] : memref<92x128xi32, #tpu.memory_space<vmem>> -> memref<1x128xi32, #tpu.memory_space<vmem>>
        %dma_wait3A_55 = tpu.memref_squeeze %dma_wait3A_54 : memref<1x128xi32, #tpu.memory_space<vmem>> -> memref<128xi32, #tpu.memory_space<vmem>>
        %dma_wait3A_56 = arith.constant 0 : i32
        %dma_wait3A_57 = arith.constant 0 : i32
        %dma_wait3A_58 = tpu.memref_slice %arg12[%dma_wait3A_56, %dma_wait3A_57] : memref<10112x128xf32, #tpu.memory_space<vmem_shared>> -> memref<10112x128xf32, #tpu.memory_space<vmem_shared>>
        tpu.wait_indirect_dma semaphore(%arg14 : memref<!tpu.dma_semaphore, #tpu.memory_space<semaphore_mem>>) src(%arg11 : memref<128x128xf32, #tpu.memory_space<vmem>>) dst(%dma_wait3A_58 : memref<10112x128xf32, #tpu.memory_space<vmem_shared>>)
        %add3A = arith.constant 1 : i32
        %add3A_59 = arith.addi %scan3A_40, %add3A : i32
        %dma_start3A_60 = arith.constant 0 : i32
        %dma_start3A_61 = tpu.memref_slice %arg9[%add3A_59, %dma_start3A_60] : memref<92x128xi32, #tpu.memory_space<vmem>> -> memref<1x128xi32, #tpu.memory_space<vmem>>
        %dma_start3A_62 = tpu.memref_squeeze %dma_start3A_61 : memref<1x128xi32, #tpu.memory_space<vmem>> -> memref<128xi32, #tpu.memory_space<vmem>>
        %dma_start3A_63 = arith.constant 0 : i32
        %dma_start3A_64 = arith.constant 0 : i32
        %dma_start3A_65 = tpu.memref_slice %arg2[%dma_start3A_63, %dma_start3A_64] : memref<10000x128xf32, #tpu.memory_space<hbm>> -> memref<10000x128xf32, #tpu.memory_space<hbm>>
        tpu.enqueue_indirect_dma source(%dma_start3A_65 : memref<10000x128xf32, #tpu.memory_space<hbm>>) target(%arg11 : memref<128x128xf32, #tpu.memory_space<vmem>>) offsets(%dma_start3A_62 : memref<128xi32, #tpu.memory_space<vmem>>) semaphore(%arg13 : memref<!tpu.dma_semaphore, #tpu.memory_space<semaphore_mem>>)
      }
      %scan3A_19 = arith.constant 91 : i32
      %dma_wait3A = arith.constant 91 : i32
      %dma_wait3A_20 = arith.constant 0 : i32
      %dma_wait3A_21 = tpu.memref_slice %arg9[%dma_wait3A, %dma_wait3A_20] : memref<92x128xi32, #tpu.memory_space<vmem>> -> memref<1x128xi32, #tpu.memory_space<vmem>>
      %dma_wait3A_22 = tpu.memref_squeeze %dma_wait3A_21 : memref<1x128xi32, #tpu.memory_space<vmem>> -> memref<128xi32, #tpu.memory_space<vmem>>
      %dma_wait3A_23 = arith.constant 0 : i32
      %dma_wait3A_24 = arith.constant 0 : i32
      %dma_wait3A_25 = tpu.memref_slice %arg2[%dma_wait3A_23, %dma_wait3A_24] : memref<10000x128xf32, #tpu.memory_space<hbm>> -> memref<10000x128xf32, #tpu.memory_space<hbm>>
      tpu.wait_indirect_dma semaphore(%arg13 : memref<!tpu.dma_semaphore, #tpu.memory_space<semaphore_mem>>) src(%dma_wait3A_25 : memref<10000x128xf32, #tpu.memory_space<hbm>>) dst(%arg11 : memref<128x128xf32, #tpu.memory_space<vmem>>)
      %dma_start3A_26 = arith.constant 91 : i32
      %dma_start3A_27 = arith.constant 0 : i32
      %dma_start3A_28 = tpu.memref_slice %arg10[%dma_start3A_26, %dma_start3A_27] : memref<92x128xi32, #tpu.memory_space<vmem>> -> memref<1x128xi32, #tpu.memory_space<vmem>>
      %dma_start3A_29 = tpu.memref_squeeze %dma_start3A_28 : memref<1x128xi32, #tpu.memory_space<vmem>> -> memref<128xi32, #tpu.memory_space<vmem>>
      %dma_start3A_30 = arith.constant 0 : i32
      %dma_start3A_31 = arith.constant 0 : i32
      %dma_start3A_32 = tpu.memref_slice %arg12[%dma_start3A_30, %dma_start3A_31] : memref<10112x128xf32, #tpu.memory_space<vmem_shared>> -> memref<10112x128xf32, #tpu.memory_space<vmem_shared>>
      tpu.enqueue_indirect_dma source(%arg11 : memref<128x128xf32, #tpu.memory_space<vmem>>) target(%dma_start3A_32 : memref<10112x128xf32, #tpu.memory_space<vmem_shared>>) offsets(%dma_start3A_29 : memref<128xi32, #tpu.memory_space<vmem>>) semaphore(%arg14 : memref<!tpu.dma_semaphore, #tpu.memory_space<semaphore_mem>>) {add = true}
      %dma_wait3A_33 = arith.constant 91 : i32
      %dma_wait3A_34 = arith.constant 0 : i32
      %dma_wait3A_35 = tpu.memref_slice %arg10[%dma_wait3A_33, %dma_wait3A_34] : memref<92x128xi32, #tpu.memory_space<vmem>> -> memref<1x128xi32, #tpu.memory_space<vmem>>
      %dma_wait3A_36 = tpu.memref_squeeze %dma_wait3A_35 : memref<1x128xi32, #tpu.memory_space<vmem>> -> memref<128xi32, #tpu.memory_space<vmem>>
      %dma_wait3A_37 = arith.constant 0 : i32
      %dma_wait3A_38 = arith.constant 0 : i32
      %dma_wait3A_39 = tpu.memref_slice %arg12[%dma_wait3A_37, %dma_wait3A_38] : memref<10112x128xf32, #tpu.memory_space<vmem_shared>> -> memref<10112x128xf32, #tpu.memory_space<vmem_shared>>
      tpu.wait_indirect_dma semaphore(%arg14 : memref<!tpu.dma_semaphore, #tpu.memory_space<semaphore_mem>>) src(%arg11 : memref<128x128xf32, #tpu.memory_space<vmem>>) dst(%dma_wait3A_39 : memref<10112x128xf32, #tpu.memory_space<vmem_shared>>)
    } else {
    }
    %eq3A_3 = arith.constant 1 : i32
    %eq3A_4 = arith.cmpi eq, %arg0, %eq3A_3 : i32
    %convert_element_type3A_5 = arith.extui %eq3A_4 : i1 to i32
    %cond3A_6 = arith.constant 0 : i32
    %cond3A_7 = arith.cmpi ne, %convert_element_type3A_5, %cond3A_6 : i32
    scf.if %cond3A_7 {
      "tpu.region"() ({
        %run_scoped3A = tpu.sem_alloc : memref<!tpu.dma_semaphore, #tpu.memory_space<semaphore_mem>>
        %dma_start3A_40 = arith.constant 0 : i32
        %dma_start3A_41 = arith.constant 0 : i32
        %dma_start3A_42 = tpu.memref_slice %arg9[%dma_start3A_40, %dma_start3A_41] : memref<92x128xi32, #tpu.memory_space<vmem>> -> memref<65x128xi32, #tpu.memory_space<vmem>>
        %dma_start3A_43 = arith.constant 0 : i32
        %dma_start3A_44 = arith.constant 0 : i32
        %dma_start3A_45 = tpu.memref_slice %arg5[%arg1, %dma_start3A_43, %dma_start3A_44] : memref<16x65x128xi32, #tpu.memory_space<hbm>> -> memref<1x65x128xi32, #tpu.memory_space<hbm>>
        %dma_start3A_46 = tpu.memref_squeeze %dma_start3A_45 : memref<1x65x128xi32, #tpu.memory_space<hbm>> -> memref<65x128xi32, #tpu.memory_space<hbm>>
        %dma_start3A_47 = arith.constant 0 : i32
        %dma_start3A_48 = arith.constant 0 : i32
        %dma_start3A_49 = tpu.memref_slice %arg9[%dma_start3A_47, %dma_start3A_48] : memref<92x128xi32, #tpu.memory_space<vmem>> -> memref<65x128xi32, #tpu.memory_space<vmem>>
        %dma_start3A_50 = arith.constant 0 : i32
        %dma_start3A_51 = arith.constant 0 : i32
        %dma_start3A_52 = tpu.memref_slice %arg5[%arg1, %dma_start3A_50, %dma_start3A_51] : memref<16x65x128xi32, #tpu.memory_space<hbm>> -> memref<1x65x128xi32, #tpu.memory_space<hbm>>
        %dma_start3A_53 = tpu.memref_squeeze %dma_start3A_52 : memref<1x65x128xi32, #tpu.memory_space<hbm>> -> memref<65x128xi32, #tpu.memory_space<hbm>>
        tpu.enqueue_dma source(%dma_start3A_53 : memref<65x128xi32, #tpu.memory_space<hbm>>) target(%dma_start3A_49 : memref<65x128xi32, #tpu.memory_space<vmem>>) target_semaphore(%run_scoped3A : memref<!tpu.dma_semaphore, #tpu.memory_space<semaphore_mem>>)
        %dma_wait3A_54 = arith.constant 0 : i32
        %dma_wait3A_55 = arith.constant 0 : i32
        %dma_wait3A_56 = tpu.memref_slice %arg9[%dma_wait3A_54, %dma_wait3A_55] : memref<92x128xi32, #tpu.memory_space<vmem>> -> memref<65x128xi32, #tpu.memory_space<vmem>>
        %dma_wait3A_57 = arith.constant 0 : i32
        %dma_wait3A_58 = arith.constant 0 : i32
        %dma_wait3A_59 = tpu.memref_slice %arg5[%arg1, %dma_wait3A_57, %dma_wait3A_58] : memref<16x65x128xi32, #tpu.memory_space<hbm>> -> memref<1x65x128xi32, #tpu.memory_space<hbm>>
        %dma_wait3A_60 = tpu.memref_squeeze %dma_wait3A_59 : memref<1x65x128xi32, #tpu.memory_space<hbm>> -> memref<65x128xi32, #tpu.memory_space<hbm>>
        %dma_wait3A_61 = arith.constant 0 : i32
        %dma_wait3A_62 = arith.constant 0 : i32
        %dma_wait3A_63 = tpu.memref_slice %arg9[%dma_wait3A_61, %dma_wait3A_62] : memref<92x128xi32, #tpu.memory_space<vmem>> -> memref<65x128xi32, #tpu.memory_space<vmem>>
        %dma_wait3A_64 = arith.constant 0 : i32
        %dma_wait3A_65 = arith.constant 0 : i32
        %dma_wait3A_66 = tpu.memref_slice %arg5[%arg1, %dma_wait3A_64, %dma_wait3A_65] : memref<16x65x128xi32, #tpu.memory_space<hbm>> -> memref<1x65x128xi32, #tpu.memory_space<hbm>>
        %dma_wait3A_67 = tpu.memref_squeeze %dma_wait3A_66 : memref<1x65x128xi32, #tpu.memory_space<hbm>> -> memref<65x128xi32, #tpu.memory_space<hbm>>
        tpu.wait_dma2 semaphore(%run_scoped3A : memref<!tpu.dma_semaphore, #tpu.memory_space<semaphore_mem>>) src(%dma_wait3A_67 : memref<65x128xi32, #tpu.memory_space<hbm>>) dst(%dma_wait3A_63 : memref<65x128xi32, #tpu.memory_space<vmem>>)
        tpu.yield
      }) : () -> ()
      "tpu.region"() ({
        %run_scoped3A = tpu.sem_alloc : memref<!tpu.dma_semaphore, #tpu.memory_space<semaphore_mem>>
        %dma_start3A_40 = arith.constant 0 : i32
        %dma_start3A_41 = arith.constant 0 : i32
        %dma_start3A_42 = tpu.memref_slice %arg10[%dma_start3A_40, %dma_start3A_41] : memref<92x128xi32, #tpu.memory_space<vmem>> -> memref<65x128xi32, #tpu.memory_space<vmem>>
        %dma_start3A_43 = arith.constant 0 : i32
        %dma_start3A_44 = arith.constant 0 : i32
        %dma_start3A_45 = tpu.memref_slice %arg6[%arg1, %dma_start3A_43, %dma_start3A_44] : memref<16x65x128xi32, #tpu.memory_space<hbm>> -> memref<1x65x128xi32, #tpu.memory_space<hbm>>
        %dma_start3A_46 = tpu.memref_squeeze %dma_start3A_45 : memref<1x65x128xi32, #tpu.memory_space<hbm>> -> memref<65x128xi32, #tpu.memory_space<hbm>>
        %dma_start3A_47 = arith.constant 0 : i32
        %dma_start3A_48 = arith.constant 0 : i32
        %dma_start3A_49 = tpu.memref_slice %arg10[%dma_start3A_47, %dma_start3A_48] : memref<92x128xi32, #tpu.memory_space<vmem>> -> memref<65x128xi32, #tpu.memory_space<vmem>>
        %dma_start3A_50 = arith.constant 0 : i32
        %dma_start3A_51 = arith.constant 0 : i32
        %dma_start3A_52 = tpu.memref_slice %arg6[%arg1, %dma_start3A_50, %dma_start3A_51] : memref<16x65x128xi32, #tpu.memory_space<hbm>> -> memref<1x65x128xi32, #tpu.memory_space<hbm>>
        %dma_start3A_53 = tpu.memref_squeeze %dma_start3A_52 : memref<1x65x128xi32, #tpu.memory_space<hbm>> -> memref<65x128xi32, #tpu.memory_space<hbm>>
        tpu.enqueue_dma source(%dma_start3A_53 : memref<65x128xi32, #tpu.memory_space<hbm>>) target(%dma_start3A_49 : memref<65x128xi32, #tpu.memory_space<vmem>>) target_semaphore(%run_scoped3A : memref<!tpu.dma_semaphore, #tpu.memory_space<semaphore_mem>>)
        %dma_wait3A_54 = arith.constant 0 : i32
        %dma_wait3A_55 = arith.constant 0 : i32
        %dma_wait3A_56 = tpu.memref_slice %arg10[%dma_wait3A_54, %dma_wait3A_55] : memref<92x128xi32, #tpu.memory_space<vmem>> -> memref<65x128xi32, #tpu.memory_space<vmem>>
        %dma_wait3A_57 = arith.constant 0 : i32
        %dma_wait3A_58 = arith.constant 0 : i32
        %dma_wait3A_59 = tpu.memref_slice %arg6[%arg1, %dma_wait3A_57, %dma_wait3A_58] : memref<16x65x128xi32, #tpu.memory_space<hbm>> -> memref<1x65x128xi32, #tpu.memory_space<hbm>>
        %dma_wait3A_60 = tpu.memref_squeeze %dma_wait3A_59 : memref<1x65x128xi32, #tpu.memory_space<hbm>> -> memref<65x128xi32, #tpu.memory_space<hbm>>
        %dma_wait3A_61 = arith.constant 0 : i32
        %dma_wait3A_62 = arith.constant 0 : i32
        %dma_wait3A_63 = tpu.memref_slice %arg10[%dma_wait3A_61, %dma_wait3A_62] : memref<92x128xi32, #tpu.memory_space<vmem>> -> memref<65x128xi32, #tpu.memory_space<vmem>>
        %dma_wait3A_64 = arith.constant 0 : i32
        %dma_wait3A_65 = arith.constant 0 : i32
        %dma_wait3A_66 = tpu.memref_slice %arg6[%arg1, %dma_wait3A_64, %dma_wait3A_65] : memref<16x65x128xi32, #tpu.memory_space<hbm>> -> memref<1x65x128xi32, #tpu.memory_space<hbm>>
        %dma_wait3A_67 = tpu.memref_squeeze %dma_wait3A_66 : memref<1x65x128xi32, #tpu.memory_space<hbm>> -> memref<65x128xi32, #tpu.memory_space<hbm>>
        tpu.wait_dma2 semaphore(%run_scoped3A : memref<!tpu.dma_semaphore, #tpu.memory_space<semaphore_mem>>) src(%dma_wait3A_67 : memref<65x128xi32, #tpu.memory_space<hbm>>) dst(%dma_wait3A_63 : memref<65x128xi32, #tpu.memory_space<vmem>>)
        tpu.yield
      }) : () -> ()
      %dma_start3A = arith.constant 0 : i32
      %dma_start3A_9 = arith.constant 0 : i32
      %dma_start3A_10 = tpu.memref_slice %arg9[%dma_start3A, %dma_start3A_9] : memref<92x128xi32, #tpu.memory_space<vmem>> -> memref<1x128xi32, #tpu.memory_space<vmem>>
      %dma_start3A_11 = tpu.memref_squeeze %dma_start3A_10 : memref<1x128xi32, #tpu.memory_space<vmem>> -> memref<128xi32, #tpu.memory_space<vmem>>
      %dma_start3A_12 = arith.constant 0 : i32
      %dma_start3A_13 = arith.constant 0 : i32
      %dma_start3A_14 = tpu.memref_slice %arg2[%dma_start3A_12, %dma_start3A_13] : memref<10000x128xf32, #tpu.memory_space<hbm>> -> memref<10000x128xf32, #tpu.memory_space<hbm>>
      tpu.enqueue_indirect_dma source(%dma_start3A_14 : memref<10000x128xf32, #tpu.memory_space<hbm>>) target(%arg11 : memref<128x128xf32, #tpu.memory_space<vmem>>) offsets(%dma_start3A_11 : memref<128xi32, #tpu.memory_space<vmem>>) semaphore(%arg13 : memref<!tpu.dma_semaphore, #tpu.memory_space<semaphore_mem>>)
      %scan3A = arith.constant 0 : i32
      %scan3A_15 = arith.constant 0 : i32
      %scan3A_16 = arith.constant 64 : i32
      %scan3A_17 = arith.addi %scan3A_15, %scan3A_16 : i32
      %scan3A_18 = arith.constant 1 : i32
      scf.for %scan3A_40 = %scan3A_15 to %scan3A_17 step %scan3A_18  : i32 {
        %dma_wait3A_41 = arith.constant 0 : i32
        %dma_wait3A_42 = tpu.memref_slice %arg9[%scan3A_40, %dma_wait3A_41] : memref<92x128xi32, #tpu.memory_space<vmem>> -> memref<1x128xi32, #tpu.memory_space<vmem>>
        %dma_wait3A_43 = tpu.memref_squeeze %dma_wait3A_42 : memref<1x128xi32, #tpu.memory_space<vmem>> -> memref<128xi32, #tpu.memory_space<vmem>>
        %dma_wait3A_44 = arith.constant 0 : i32
        %dma_wait3A_45 = arith.constant 0 : i32
        %dma_wait3A_46 = tpu.memref_slice %arg2[%dma_wait3A_44, %dma_wait3A_45] : memref<10000x128xf32, #tpu.memory_space<hbm>> -> memref<10000x128xf32, #tpu.memory_space<hbm>>
        tpu.wait_indirect_dma semaphore(%arg13 : memref<!tpu.dma_semaphore, #tpu.memory_space<semaphore_mem>>) src(%dma_wait3A_46 : memref<10000x128xf32, #tpu.memory_space<hbm>>) dst(%arg11 : memref<128x128xf32, #tpu.memory_space<vmem>>)
        %dma_start3A_47 = arith.constant 0 : i32
        %dma_start3A_48 = tpu.memref_slice %arg10[%scan3A_40, %dma_start3A_47] : memref<92x128xi32, #tpu.memory_space<vmem>> -> memref<1x128xi32, #tpu.memory_space<vmem>>
        %dma_start3A_49 = tpu.memref_squeeze %dma_start3A_48 : memref<1x128xi32, #tpu.memory_space<vmem>> -> memref<128xi32, #tpu.memory_space<vmem>>
        %dma_start3A_50 = arith.constant 0 : i32
        %dma_start3A_51 = arith.constant 0 : i32
        %dma_start3A_52 = tpu.memref_slice %arg12[%dma_start3A_50, %dma_start3A_51] : memref<10112x128xf32, #tpu.memory_space<vmem_shared>> -> memref<10112x128xf32, #tpu.memory_space<vmem_shared>>
        tpu.enqueue_indirect_dma source(%arg11 : memref<128x128xf32, #tpu.memory_space<vmem>>) target(%dma_start3A_52 : memref<10112x128xf32, #tpu.memory_space<vmem_shared>>) offsets(%dma_start3A_49 : memref<128xi32, #tpu.memory_space<vmem>>) semaphore(%arg14 : memref<!tpu.dma_semaphore, #tpu.memory_space<semaphore_mem>>) {add = true}
        %dma_wait3A_53 = arith.constant 0 : i32
        %dma_wait3A_54 = tpu.memref_slice %arg10[%scan3A_40, %dma_wait3A_53] : memref<92x128xi32, #tpu.memory_space<vmem>> -> memref<1x128xi32, #tpu.memory_space<vmem>>
        %dma_wait3A_55 = tpu.memref_squeeze %dma_wait3A_54 : memref<1x128xi32, #tpu.memory_space<vmem>> -> memref<128xi32, #tpu.memory_space<vmem>>
        %dma_wait3A_56 = arith.constant 0 : i32
        %dma_wait3A_57 = arith.constant 0 : i32
        %dma_wait3A_58 = tpu.memref_slice %arg12[%dma_wait3A_56, %dma_wait3A_57] : memref<10112x128xf32, #tpu.memory_space<vmem_shared>> -> memref<10112x128xf32, #tpu.memory_space<vmem_shared>>
        tpu.wait_indirect_dma semaphore(%arg14 : memref<!tpu.dma_semaphore, #tpu.memory_space<semaphore_mem>>) src(%arg11 : memref<128x128xf32, #tpu.memory_space<vmem>>) dst(%dma_wait3A_58 : memref<10112x128xf32, #tpu.memory_space<vmem_shared>>)
        %add3A = arith.constant 1 : i32
        %add3A_59 = arith.addi %scan3A_40, %add3A : i32
        %dma_start3A_60 = arith.constant 0 : i32
        %dma_start3A_61 = tpu.memref_slice %arg9[%add3A_59, %dma_start3A_60] : memref<92x128xi32, #tpu.memory_space<vmem>> -> memref<1x128xi32, #tpu.memory_space<vmem>>
        %dma_start3A_62 = tpu.memref_squeeze %dma_start3A_61 : memref<1x128xi32, #tpu.memory_space<vmem>> -> memref<128xi32, #tpu.memory_space<vmem>>
        %dma_start3A_63 = arith.constant 0 : i32
        %dma_start3A_64 = arith.constant 0 : i32
        %dma_start3A_65 = tpu.memref_slice %arg2[%dma_start3A_63, %dma_start3A_64] : memref<10000x128xf32, #tpu.memory_space<hbm>> -> memref<10000x128xf32, #tpu.memory_space<hbm>>
        tpu.enqueue_indirect_dma source(%dma_start3A_65 : memref<10000x128xf32, #tpu.memory_space<hbm>>) target(%arg11 : memref<128x128xf32, #tpu.memory_space<vmem>>) offsets(%dma_start3A_62 : memref<128xi32, #tpu.memory_space<vmem>>) semaphore(%arg13 : memref<!tpu.dma_semaphore, #tpu.memory_space<semaphore_mem>>)
      }
      %scan3A_19 = arith.constant 64 : i32
      %dma_wait3A = arith.constant 64 : i32
      %dma_wait3A_20 = arith.constant 0 : i32
      %dma_wait3A_21 = tpu.memref_slice %arg9[%dma_wait3A, %dma_wait3A_20] : memref<92x128xi32, #tpu.memory_space<vmem>> -> memref<1x128xi32, #tpu.memory_space<vmem>>
      %dma_wait3A_22 = tpu.memref_squeeze %dma_wait3A_21 : memref<1x128xi32, #tpu.memory_space<vmem>> -> memref<128xi32, #tpu.memory_space<vmem>>
      %dma_wait3A_23 = arith.constant 0 : i32
      %dma_wait3A_24 = arith.constant 0 : i32
      %dma_wait3A_25 = tpu.memref_slice %arg2[%dma_wait3A_23, %dma_wait3A_24] : memref<10000x128xf32, #tpu.memory_space<hbm>> -> memref<10000x128xf32, #tpu.memory_space<hbm>>
      tpu.wait_indirect_dma semaphore(%arg13 : memref<!tpu.dma_semaphore, #tpu.memory_space<semaphore_mem>>) src(%dma_wait3A_25 : memref<10000x128xf32, #tpu.memory_space<hbm>>) dst(%arg11 : memref<128x128xf32, #tpu.memory_space<vmem>>)
      %dma_start3A_26 = arith.constant 64 : i32
      %dma_start3A_27 = arith.constant 0 : i32
      %dma_start3A_28 = tpu.memref_slice %arg10[%dma_start3A_26, %dma_start3A_27] : memref<92x128xi32, #tpu.memory_space<vmem>> -> memref<1x128xi32, #tpu.memory_space<vmem>>
      %dma_start3A_29 = tpu.memref_squeeze %dma_start3A_28 : memref<1x128xi32, #tpu.memory_space<vmem>> -> memref<128xi32, #tpu.memory_space<vmem>>
      %dma_start3A_30 = arith.constant 0 : i32
      %dma_start3A_31 = arith.constant 0 : i32
      %dma_start3A_32 = tpu.memref_slice %arg12[%dma_start3A_30, %dma_start3A_31] : memref<10112x128xf32, #tpu.memory_space<vmem_shared>> -> memref<10112x128xf32, #tpu.memory_space<vmem_shared>>
      tpu.enqueue_indirect_dma source(%arg11 : memref<128x128xf32, #tpu.memory_space<vmem>>) target(%dma_start3A_32 : memref<10112x128xf32, #tpu.memory_space<vmem_shared>>) offsets(%dma_start3A_29 : memref<128xi32, #tpu.memory_space<vmem>>) semaphore(%arg14 : memref<!tpu.dma_semaphore, #tpu.memory_space<semaphore_mem>>) {add = true}
      %dma_wait3A_33 = arith.constant 64 : i32
      %dma_wait3A_34 = arith.constant 0 : i32
      %dma_wait3A_35 = tpu.memref_slice %arg10[%dma_wait3A_33, %dma_wait3A_34] : memref<92x128xi32, #tpu.memory_space<vmem>> -> memref<1x128xi32, #tpu.memory_space<vmem>>
      %dma_wait3A_36 = tpu.memref_squeeze %dma_wait3A_35 : memref<1x128xi32, #tpu.memory_space<vmem>> -> memref<128xi32, #tpu.memory_space<vmem>>
      %dma_wait3A_37 = arith.constant 0 : i32
      %dma_wait3A_38 = arith.constant 0 : i32
      %dma_wait3A_39 = tpu.memref_slice %arg12[%dma_wait3A_37, %dma_wait3A_38] : memref<10112x128xf32, #tpu.memory_space<vmem_shared>> -> memref<10112x128xf32, #tpu.memory_space<vmem_shared>>
      tpu.wait_indirect_dma semaphore(%arg14 : memref<!tpu.dma_semaphore, #tpu.memory_space<semaphore_mem>>) src(%arg11 : memref<128x128xf32, #tpu.memory_space<vmem>>) dst(%dma_wait3A_39 : memref<10112x128xf32, #tpu.memory_space<vmem_shared>>)
    } else {
    }
    %barrier3A_8 = arith.constant 0 : index
    tpu.barrier barrier_id(%barrier3A_8)
    "tpu.region"() ({
      %run_scoped3A = tpu.sem_alloc : memref<!tpu.dma_semaphore, #tpu.memory_space<semaphore_mem>>
      %dma_start3A = arith.constant 0 : i32
      %dma_start3A_9 = tpu.memref_slice %arg8[%arg0, %mul3A_0, %dma_start3A] : memref<2x10112x128xf32, #tpu.memory_space<hbm>> -> memref<1x632x128xf32, #tpu.memory_space<hbm>>
      %dma_start3A_10 = tpu.memref_squeeze %dma_start3A_9 : memref<1x632x128xf32, #tpu.memory_space<hbm>> -> memref<632x128xf32, #tpu.memory_space<hbm>>
      %dma_start3A_11 = arith.constant 0 : i32
      %dma_start3A_12 = tpu.memref_slice %arg12[%mul3A_0, %dma_start3A_11] : memref<10112x128xf32, #tpu.memory_space<vmem_shared>> -> memref<632x128xf32, #tpu.memory_space<vmem_shared>>
      tpu.enqueue_dma source(%dma_start3A_12 : memref<632x128xf32, #tpu.memory_space<vmem_shared>>) target(%dma_start3A_10 : memref<632x128xf32, #tpu.memory_space<hbm>>) target_semaphore(%run_scoped3A : memref<!tpu.dma_semaphore, #tpu.memory_space<semaphore_mem>>)
      %dma_wait3A = arith.constant 0 : i32
      %dma_wait3A_13 = tpu.memref_slice %arg8[%arg0, %mul3A_0, %dma_wait3A] : memref<2x10112x128xf32, #tpu.memory_space<hbm>> -> memref<1x632x128xf32, #tpu.memory_space<hbm>>
      %dma_wait3A_14 = tpu.memref_squeeze %dma_wait3A_13 : memref<1x632x128xf32, #tpu.memory_space<hbm>> -> memref<632x128xf32, #tpu.memory_space<hbm>>
      %dma_wait3A_15 = arith.constant 0 : i32
      %dma_wait3A_16 = tpu.memref_slice %arg12[%mul3A_0, %dma_wait3A_15] : memref<10112x128xf32, #tpu.memory_space<vmem_shared>> -> memref<632x128xf32, #tpu.memory_space<vmem_shared>>
      tpu.wait_dma2 semaphore(%run_scoped3A : memref<!tpu.dma_semaphore, #tpu.memory_space<semaphore_mem>>) src(%dma_wait3A_16 : memref<632x128xf32, #tpu.memory_space<vmem_shared>>) dst(%dma_wait3A_14 : memref<632x128xf32, #tpu.memory_space<hbm>>)
      tpu.yield
    }) : () -> ()
    return
  }
}

#map = affine_map<(d0, d1) -> (0, 0)>
#map1 = affine_map<(d0, d1) -> (0, 0, 0)>
module attributes {stable_mosaic.version = 14 : i64} {
  func.func @k(%arg0: i32, %arg1: i32, %arg2: memref<10000x128xf32, #tpu.memory_space<hbm>>, %arg3: memref<16x92x128xi32, #tpu.memory_space<hbm>>, %arg4: memref<16x92x128xi32, #tpu.memory_space<hbm>>, %arg5: memref<16x65x128xi32, #tpu.memory_space<hbm>>, %arg6: memref<16x65x128xi32, #tpu.memory_space<hbm>>, %arg7: memref<10112x128xf32, #tpu.memory_space<hbm>>, %arg8: memref<2x10112x128xf32, #tpu.memory_space<hbm>>, %arg9: memref<92x128xi32, #tpu.memory_space<vmem>>, %arg10: memref<92x128xi32, #tpu.memory_space<vmem>>, %arg11: memref<128x128xf32, #tpu.memory_space<vmem>>, %arg12: memref<10112x128xf32, #tpu.memory_space<vmem_shared>>, %arg13: memref<!tpu.dma_semaphore, #tpu.memory_space<semaphore_mem>>, %arg14: memref<!tpu.dma_semaphore, #tpu.memory_space<semaphore_mem>>) attributes {dimension_semantics = [#tpu.dimension_semantics<core_parallel>, #tpu.dimension_semantics<subcore_parallel>], iteration_bounds = array<i64: 2, 16>, scalar_prefetch = 0 : i64, scratch_operands = 6 : i64, tpu.core_type = #tpu.core_type<sc_vector_subcore>, window_params = [{transform_indices = #map}, {transform_indices = #map1}, {transform_indices = #map1}, {transform_indices = #map1}, {transform_indices = #map1}, {transform_indices = #map}, {transform_indices = #map1}]} {
    %mul3A = arith.constant 632 : i32
    %mul3A_0 = arith.muli %arg1, %mul3A : i32
    "tpu.region"() ({
      %run_scoped3A = tpu.sem_alloc : memref<!tpu.dma_semaphore, #tpu.memory_space<semaphore_mem>>
      %dma_start3A = arith.constant 0 : i32
      %dma_start3A_9 = tpu.memref_slice %arg12[%mul3A_0, %dma_start3A] : memref<10112x128xf32, #tpu.memory_space<vmem_shared>> -> memref<632x128xf32, #tpu.memory_space<vmem_shared>>
      %dma_start3A_10 = arith.constant 0 : i32
      %dma_start3A_11 = tpu.memref_slice %arg7[%mul3A_0, %dma_start3A_10] : memref<10112x128xf32, #tpu.memory_space<hbm>> -> memref<632x128xf32, #tpu.memory_space<hbm>>
      tpu.enqueue_dma source(%dma_start3A_11 : memref<632x128xf32, #tpu.memory_space<hbm>>) target(%dma_start3A_9 : memref<632x128xf32, #tpu.memory_space<vmem_shared>>) target_semaphore(%run_scoped3A : memref<!tpu.dma_semaphore, #tpu.memory_space<semaphore_mem>>)
      %dma_wait3A = arith.constant 0 : i32
      %dma_wait3A_12 = tpu.memref_slice %arg12[%mul3A_0, %dma_wait3A] : memref<10112x128xf32, #tpu.memory_space<vmem_shared>> -> memref<632x128xf32, #tpu.memory_space<vmem_shared>>
      %dma_wait3A_13 = arith.constant 0 : i32
      %dma_wait3A_14 = tpu.memref_slice %arg7[%mul3A_0, %dma_wait3A_13] : memref<10112x128xf32, #tpu.memory_space<hbm>> -> memref<632x128xf32, #tpu.memory_space<hbm>>
      tpu.wait_dma2 semaphore(%run_scoped3A : memref<!tpu.dma_semaphore, #tpu.memory_space<semaphore_mem>>) src(%dma_wait3A_14 : memref<632x128xf32, #tpu.memory_space<hbm>>) dst(%dma_wait3A_12 : memref<632x128xf32, #tpu.memory_space<vmem_shared>>)
      tpu.yield
    }) : () -> ()
    %barrier3A = arith.constant 0 : index
    tpu.barrier barrier_id(%barrier3A)
    %eq3A = arith.constant 0 : i32
    %eq3A_1 = arith.cmpi eq, %arg0, %eq3A : i32
    %convert_element_type3A = arith.extui %eq3A_1 : i1 to i32
    %cond3A = arith.constant 0 : i32
    %cond3A_2 = arith.cmpi ne, %convert_element_type3A, %cond3A : i32
    scf.if %cond3A_2 {
      "tpu.region"() ({
        %run_scoped3A = tpu.sem_alloc : memref<!tpu.dma_semaphore, #tpu.memory_space<semaphore_mem>>
        %dma_start3A_40 = arith.constant 0 : i32
        %dma_start3A_41 = arith.constant 0 : i32
        %dma_start3A_42 = tpu.memref_slice %arg9[%dma_start3A_40, %dma_start3A_41] : memref<92x128xi32, #tpu.memory_space<vmem>> -> memref<92x128xi32, #tpu.memory_space<vmem>>
        %dma_start3A_43 = arith.constant 0 : i32
        %dma_start3A_44 = arith.constant 0 : i32
        %dma_start3A_45 = tpu.memref_slice %arg3[%arg1, %dma_start3A_43, %dma_start3A_44] : memref<16x92x128xi32, #tpu.memory_space<hbm>> -> memref<1x92x128xi32, #tpu.memory_space<hbm>>
        %dma_start3A_46 = tpu.memref_squeeze %dma_start3A_45 : memref<1x92x128xi32, #tpu.memory_space<hbm>> -> memref<92x128xi32, #tpu.memory_space<hbm>>
        %dma_start3A_47 = arith.constant 0 : i32
        %dma_start3A_48 = arith.constant 0 : i32
        %dma_start3A_49 = tpu.memref_slice %arg9[%dma_start3A_47, %dma_start3A_48] : memref<92x128xi32, #tpu.memory_space<vmem>> -> memref<92x128xi32, #tpu.memory_space<vmem>>
        %dma_start3A_50 = arith.constant 0 : i32
        %dma_start3A_51 = arith.constant 0 : i32
        %dma_start3A_52 = tpu.memref_slice %arg3[%arg1, %dma_start3A_50, %dma_start3A_51] : memref<16x92x128xi32, #tpu.memory_space<hbm>> -> memref<1x92x128xi32, #tpu.memory_space<hbm>>
        %dma_start3A_53 = tpu.memref_squeeze %dma_start3A_52 : memref<1x92x128xi32, #tpu.memory_space<hbm>> -> memref<92x128xi32, #tpu.memory_space<hbm>>
        tpu.enqueue_dma source(%dma_start3A_53 : memref<92x128xi32, #tpu.memory_space<hbm>>) target(%dma_start3A_49 : memref<92x128xi32, #tpu.memory_space<vmem>>) target_semaphore(%run_scoped3A : memref<!tpu.dma_semaphore, #tpu.memory_space<semaphore_mem>>)
        %dma_wait3A_54 = arith.constant 0 : i32
        %dma_wait3A_55 = arith.constant 0 : i32
        %dma_wait3A_56 = tpu.memref_slice %arg9[%dma_wait3A_54, %dma_wait3A_55] : memref<92x128xi32, #tpu.memory_space<vmem>> -> memref<92x128xi32, #tpu.memory_space<vmem>>
        %dma_wait3A_57 = arith.constant 0 : i32
        %dma_wait3A_58 = arith.constant 0 : i32
        %dma_wait3A_59 = tpu.memref_slice %arg3[%arg1, %dma_wait3A_57, %dma_wait3A_58] : memref<16x92x128xi32, #tpu.memory_space<hbm>> -> memref<1x92x128xi32, #tpu.memory_space<hbm>>
        %dma_wait3A_60 = tpu.memref_squeeze %dma_wait3A_59 : memref<1x92x128xi32, #tpu.memory_space<hbm>> -> memref<92x128xi32, #tpu.memory_space<hbm>>
        %dma_wait3A_61 = arith.constant 0 : i32
        %dma_wait3A_62 = arith.constant 0 : i32
        %dma_wait3A_63 = tpu.memref_slice %arg9[%dma_wait3A_61, %dma_wait3A_62] : memref<92x128xi32, #tpu.memory_space<vmem>> -> memref<92x128xi32, #tpu.memory_space<vmem>>
        %dma_wait3A_64 = arith.constant 0 : i32
        %dma_wait3A_65 = arith.constant 0 : i32
        %dma_wait3A_66 = tpu.memref_slice %arg3[%arg1, %dma_wait3A_64, %dma_wait3A_65] : memref<16x92x128xi32, #tpu.memory_space<hbm>> -> memref<1x92x128xi32, #tpu.memory_space<hbm>>
        %dma_wait3A_67 = tpu.memref_squeeze %dma_wait3A_66 : memref<1x92x128xi32, #tpu.memory_space<hbm>> -> memref<92x128xi32, #tpu.memory_space<hbm>>
        tpu.wait_dma2 semaphore(%run_scoped3A : memref<!tpu.dma_semaphore, #tpu.memory_space<semaphore_mem>>) src(%dma_wait3A_67 : memref<92x128xi32, #tpu.memory_space<hbm>>) dst(%dma_wait3A_63 : memref<92x128xi32, #tpu.memory_space<vmem>>)
        tpu.yield
      }) : () -> ()
      "tpu.region"() ({
        %run_scoped3A = tpu.sem_alloc : memref<!tpu.dma_semaphore, #tpu.memory_space<semaphore_mem>>
        %dma_start3A_40 = arith.constant 0 : i32
        %dma_start3A_41 = arith.constant 0 : i32
        %dma_start3A_42 = tpu.memref_slice %arg10[%dma_start3A_40, %dma_start3A_41] : memref<92x128xi32, #tpu.memory_space<vmem>> -> memref<92x128xi32, #tpu.memory_space<vmem>>
        %dma_start3A_43 = arith.constant 0 : i32
        %dma_start3A_44 = arith.constant 0 : i32
        %dma_start3A_45 = tpu.memref_slice %arg4[%arg1, %dma_start3A_43, %dma_start3A_44] : memref<16x92x128xi32, #tpu.memory_space<hbm>> -> memref<1x92x128xi32, #tpu.memory_space<hbm>>
        %dma_start3A_46 = tpu.memref_squeeze %dma_start3A_45 : memref<1x92x128xi32, #tpu.memory_space<hbm>> -> memref<92x128xi32, #tpu.memory_space<hbm>>
        %dma_start3A_47 = arith.constant 0 : i32
        %dma_start3A_48 = arith.constant 0 : i32
        %dma_start3A_49 = tpu.memref_slice %arg10[%dma_start3A_47, %dma_start3A_48] : memref<92x128xi32, #tpu.memory_space<vmem>> -> memref<92x128xi32, #tpu.memory_space<vmem>>
        %dma_start3A_50 = arith.constant 0 : i32
        %dma_start3A_51 = arith.constant 0 : i32
        %dma_start3A_52 = tpu.memref_slice %arg4[%arg1, %dma_start3A_50, %dma_start3A_51] : memref<16x92x128xi32, #tpu.memory_space<hbm>> -> memref<1x92x128xi32, #tpu.memory_space<hbm>>
        %dma_start3A_53 = tpu.memref_squeeze %dma_start3A_52 : memref<1x92x128xi32, #tpu.memory_space<hbm>> -> memref<92x128xi32, #tpu.memory_space<hbm>>
        tpu.enqueue_dma source(%dma_start3A_53 : memref<92x128xi32, #tpu.memory_space<hbm>>) target(%dma_start3A_49 : memref<92x128xi32, #tpu.memory_space<vmem>>) target_semaphore(%run_scoped3A : memref<!tpu.dma_semaphore, #tpu.memory_space<semaphore_mem>>)
        %dma_wait3A_54 = arith.constant 0 : i32
        %dma_wait3A_55 = arith.constant 0 : i32
        %dma_wait3A_56 = tpu.memref_slice %arg10[%dma_wait3A_54, %dma_wait3A_55] : memref<92x128xi32, #tpu.memory_space<vmem>> -> memref<92x128xi32, #tpu.memory_space<vmem>>
        %dma_wait3A_57 = arith.constant 0 : i32
        %dma_wait3A_58 = arith.constant 0 : i32
        %dma_wait3A_59 = tpu.memref_slice %arg4[%arg1, %dma_wait3A_57, %dma_wait3A_58] : memref<16x92x128xi32, #tpu.memory_space<hbm>> -> memref<1x92x128xi32, #tpu.memory_space<hbm>>
        %dma_wait3A_60 = tpu.memref_squeeze %dma_wait3A_59 : memref<1x92x128xi32, #tpu.memory_space<hbm>> -> memref<92x128xi32, #tpu.memory_space<hbm>>
        %dma_wait3A_61 = arith.constant 0 : i32
        %dma_wait3A_62 = arith.constant 0 : i32
        %dma_wait3A_63 = tpu.memref_slice %arg10[%dma_wait3A_61, %dma_wait3A_62] : memref<92x128xi32, #tpu.memory_space<vmem>> -> memref<92x128xi32, #tpu.memory_space<vmem>>
        %dma_wait3A_64 = arith.constant 0 : i32
        %dma_wait3A_65 = arith.constant 0 : i32
        %dma_wait3A_66 = tpu.memref_slice %arg4[%arg1, %dma_wait3A_64, %dma_wait3A_65] : memref<16x92x128xi32, #tpu.memory_space<hbm>> -> memref<1x92x128xi32, #tpu.memory_space<hbm>>
        %dma_wait3A_67 = tpu.memref_squeeze %dma_wait3A_66 : memref<1x92x128xi32, #tpu.memory_space<hbm>> -> memref<92x128xi32, #tpu.memory_space<hbm>>
        tpu.wait_dma2 semaphore(%run_scoped3A : memref<!tpu.dma_semaphore, #tpu.memory_space<semaphore_mem>>) src(%dma_wait3A_67 : memref<92x128xi32, #tpu.memory_space<hbm>>) dst(%dma_wait3A_63 : memref<92x128xi32, #tpu.memory_space<vmem>>)
        tpu.yield
      }) : () -> ()
      %dma_start3A = arith.constant 0 : i32
      %dma_start3A_9 = arith.constant 0 : i32
      %dma_start3A_10 = tpu.memref_slice %arg9[%dma_start3A, %dma_start3A_9] : memref<92x128xi32, #tpu.memory_space<vmem>> -> memref<1x128xi32, #tpu.memory_space<vmem>>
      %dma_start3A_11 = tpu.memref_squeeze %dma_start3A_10 : memref<1x128xi32, #tpu.memory_space<vmem>> -> memref<128xi32, #tpu.memory_space<vmem>>
      %dma_start3A_12 = arith.constant 0 : i32
      %dma_start3A_13 = arith.constant 0 : i32
      %dma_start3A_14 = tpu.memref_slice %arg2[%dma_start3A_12, %dma_start3A_13] : memref<10000x128xf32, #tpu.memory_space<hbm>> -> memref<10000x128xf32, #tpu.memory_space<hbm>>
      tpu.enqueue_indirect_dma source(%dma_start3A_14 : memref<10000x128xf32, #tpu.memory_space<hbm>>) target(%arg11 : memref<128x128xf32, #tpu.memory_space<vmem>>) offsets(%dma_start3A_11 : memref<128xi32, #tpu.memory_space<vmem>>) semaphore(%arg13 : memref<!tpu.dma_semaphore, #tpu.memory_space<semaphore_mem>>)
      %scan3A = arith.constant 0 : i32
      %scan3A_15 = arith.constant 0 : i32
      %scan3A_16 = arith.constant 91 : i32
      %scan3A_17 = arith.addi %scan3A_15, %scan3A_16 : i32
      %scan3A_18 = arith.constant 1 : i32
      scf.for %scan3A_40 = %scan3A_15 to %scan3A_17 step %scan3A_18  : i32 {
        %dma_wait3A_41 = arith.constant 0 : i32
        %dma_wait3A_42 = tpu.memref_slice %arg9[%scan3A_40, %dma_wait3A_41] : memref<92x128xi32, #tpu.memory_space<vmem>> -> memref<1x128xi32, #tpu.memory_space<vmem>>
        %dma_wait3A_43 = tpu.memref_squeeze %dma_wait3A_42 : memref<1x128xi32, #tpu.memory_space<vmem>> -> memref<128xi32, #tpu.memory_space<vmem>>
        %dma_wait3A_44 = arith.constant 0 : i32
        %dma_wait3A_45 = arith.constant 0 : i32
        %dma_wait3A_46 = tpu.memref_slice %arg2[%dma_wait3A_44, %dma_wait3A_45] : memref<10000x128xf32, #tpu.memory_space<hbm>> -> memref<10000x128xf32, #tpu.memory_space<hbm>>
        tpu.wait_indirect_dma semaphore(%arg13 : memref<!tpu.dma_semaphore, #tpu.memory_space<semaphore_mem>>) src(%dma_wait3A_46 : memref<10000x128xf32, #tpu.memory_space<hbm>>) dst(%arg11 : memref<128x128xf32, #tpu.memory_space<vmem>>)
        %dma_start3A_47 = arith.constant 0 : i32
        %dma_start3A_48 = tpu.memref_slice %arg10[%scan3A_40, %dma_start3A_47] : memref<92x128xi32, #tpu.memory_space<vmem>> -> memref<1x128xi32, #tpu.memory_space<vmem>>
        %dma_start3A_49 = tpu.memref_squeeze %dma_start3A_48 : memref<1x128xi32, #tpu.memory_space<vmem>> -> memref<128xi32, #tpu.memory_space<vmem>>
        %dma_start3A_50 = arith.constant 0 : i32
        %dma_start3A_51 = arith.constant 0 : i32
        %dma_start3A_52 = tpu.memref_slice %arg12[%dma_start3A_50, %dma_start3A_51] : memref<10112x128xf32, #tpu.memory_space<vmem_shared>> -> memref<10112x128xf32, #tpu.memory_space<vmem_shared>>
        tpu.enqueue_indirect_dma source(%arg11 : memref<128x128xf32, #tpu.memory_space<vmem>>) target(%dma_start3A_52 : memref<10112x128xf32, #tpu.memory_space<vmem_shared>>) offsets(%dma_start3A_49 : memref<128xi32, #tpu.memory_space<vmem>>) semaphore(%arg14 : memref<!tpu.dma_semaphore, #tpu.memory_space<semaphore_mem>>) {add = true}
        %dma_wait3A_53 = arith.constant 0 : i32
        %dma_wait3A_54 = tpu.memref_slice %arg10[%scan3A_40, %dma_wait3A_53] : memref<92x128xi32, #tpu.memory_space<vmem>> -> memref<1x128xi32, #tpu.memory_space<vmem>>
        %dma_wait3A_55 = tpu.memref_squeeze %dma_wait3A_54 : memref<1x128xi32, #tpu.memory_space<vmem>> -> memref<128xi32, #tpu.memory_space<vmem>>
        %dma_wait3A_56 = arith.constant 0 : i32
        %dma_wait3A_57 = arith.constant 0 : i32
        %dma_wait3A_58 = tpu.memref_slice %arg12[%dma_wait3A_56, %dma_wait3A_57] : memref<10112x128xf32, #tpu.memory_space<vmem_shared>> -> memref<10112x128xf32, #tpu.memory_space<vmem_shared>>
        tpu.wait_indirect_dma semaphore(%arg14 : memref<!tpu.dma_semaphore, #tpu.memory_space<semaphore_mem>>) src(%arg11 : memref<128x128xf32, #tpu.memory_space<vmem>>) dst(%dma_wait3A_58 : memref<10112x128xf32, #tpu.memory_space<vmem_shared>>)
        %add3A = arith.constant 1 : i32
        %add3A_59 = arith.addi %scan3A_40, %add3A : i32
        %dma_start3A_60 = arith.constant 0 : i32
        %dma_start3A_61 = tpu.memref_slice %arg9[%add3A_59, %dma_start3A_60] : memref<92x128xi32, #tpu.memory_space<vmem>> -> memref<1x128xi32, #tpu.memory_space<vmem>>
        %dma_start3A_62 = tpu.memref_squeeze %dma_start3A_61 : memref<1x128xi32, #tpu.memory_space<vmem>> -> memref<128xi32, #tpu.memory_space<vmem>>
        %dma_start3A_63 = arith.constant 0 : i32
        %dma_start3A_64 = arith.constant 0 : i32
        %dma_start3A_65 = tpu.memref_slice %arg2[%dma_start3A_63, %dma_start3A_64] : memref<10000x128xf32, #tpu.memory_space<hbm>> -> memref<10000x128xf32, #tpu.memory_space<hbm>>
        tpu.enqueue_indirect_dma source(%dma_start3A_65 : memref<10000x128xf32, #tpu.memory_space<hbm>>) target(%arg11 : memref<128x128xf32, #tpu.memory_space<vmem>>) offsets(%dma_start3A_62 : memref<128xi32, #tpu.memory_space<vmem>>) semaphore(%arg13 : memref<!tpu.dma_semaphore, #tpu.memory_space<semaphore_mem>>)
      }
      %scan3A_19 = arith.constant 91 : i32
      %dma_wait3A = arith.constant 91 : i32
      %dma_wait3A_20 = arith.constant 0 : i32
      %dma_wait3A_21 = tpu.memref_slice %arg9[%dma_wait3A, %dma_wait3A_20] : memref<92x128xi32, #tpu.memory_space<vmem>> -> memref<1x128xi32, #tpu.memory_space<vmem>>
      %dma_wait3A_22 = tpu.memref_squeeze %dma_wait3A_21 : memref<1x128xi32, #tpu.memory_space<vmem>> -> memref<128xi32, #tpu.memory_space<vmem>>
      %dma_wait3A_23 = arith.constant 0 : i32
      %dma_wait3A_24 = arith.constant 0 : i32
      %dma_wait3A_25 = tpu.memref_slice %arg2[%dma_wait3A_23, %dma_wait3A_24] : memref<10000x128xf32, #tpu.memory_space<hbm>> -> memref<10000x128xf32, #tpu.memory_space<hbm>>
      tpu.wait_indirect_dma semaphore(%arg13 : memref<!tpu.dma_semaphore, #tpu.memory_space<semaphore_mem>>) src(%dma_wait3A_25 : memref<10000x128xf32, #tpu.memory_space<hbm>>) dst(%arg11 : memref<128x128xf32, #tpu.memory_space<vmem>>)
      %dma_start3A_26 = arith.constant 91 : i32
      %dma_start3A_27 = arith.constant 0 : i32
      %dma_start3A_28 = tpu.memref_slice %arg10[%dma_start3A_26, %dma_start3A_27] : memref<92x128xi32, #tpu.memory_space<vmem>> -> memref<1x128xi32, #tpu.memory_space<vmem>>
      %dma_start3A_29 = tpu.memref_squeeze %dma_start3A_28 : memref<1x128xi32, #tpu.memory_space<vmem>> -> memref<128xi32, #tpu.memory_space<vmem>>
      %dma_start3A_30 = arith.constant 0 : i32
      %dma_start3A_31 = arith.constant 0 : i32
      %dma_start3A_32 = tpu.memref_slice %arg12[%dma_start3A_30, %dma_start3A_31] : memref<10112x128xf32, #tpu.memory_space<vmem_shared>> -> memref<10112x128xf32, #tpu.memory_space<vmem_shared>>
      tpu.enqueue_indirect_dma source(%arg11 : memref<128x128xf32, #tpu.memory_space<vmem>>) target(%dma_start3A_32 : memref<10112x128xf32, #tpu.memory_space<vmem_shared>>) offsets(%dma_start3A_29 : memref<128xi32, #tpu.memory_space<vmem>>) semaphore(%arg14 : memref<!tpu.dma_semaphore, #tpu.memory_space<semaphore_mem>>) {add = true}
      %dma_wait3A_33 = arith.constant 91 : i32
      %dma_wait3A_34 = arith.constant 0 : i32
      %dma_wait3A_35 = tpu.memref_slice %arg10[%dma_wait3A_33, %dma_wait3A_34] : memref<92x128xi32, #tpu.memory_space<vmem>> -> memref<1x128xi32, #tpu.memory_space<vmem>>
      %dma_wait3A_36 = tpu.memref_squeeze %dma_wait3A_35 : memref<1x128xi32, #tpu.memory_space<vmem>> -> memref<128xi32, #tpu.memory_space<vmem>>
      %dma_wait3A_37 = arith.constant 0 : i32
      %dma_wait3A_38 = arith.constant 0 : i32
      %dma_wait3A_39 = tpu.memref_slice %arg12[%dma_wait3A_37, %dma_wait3A_38] : memref<10112x128xf32, #tpu.memory_space<vmem_shared>> -> memref<10112x128xf32, #tpu.memory_space<vmem_shared>>
      tpu.wait_indirect_dma semaphore(%arg14 : memref<!tpu.dma_semaphore, #tpu.memory_space<semaphore_mem>>) src(%arg11 : memref<128x128xf32, #tpu.memory_space<vmem>>) dst(%dma_wait3A_39 : memref<10112x128xf32, #tpu.memory_space<vmem_shared>>)
    } else {
    }
    %eq3A_3 = arith.constant 1 : i32
    %eq3A_4 = arith.cmpi eq, %arg0, %eq3A_3 : i32
    %convert_element_type3A_5 = arith.extui %eq3A_4 : i1 to i32
    %cond3A_6 = arith.constant 0 : i32
    %cond3A_7 = arith.cmpi ne, %convert_element_type3A_5, %cond3A_6 : i32
    scf.if %cond3A_7 {
      "tpu.region"() ({
        %run_scoped3A = tpu.sem_alloc : memref<!tpu.dma_semaphore, #tpu.memory_space<semaphore_mem>>
        %dma_start3A_40 = arith.constant 0 : i32
        %dma_start3A_41 = arith.constant 0 : i32
        %dma_start3A_42 = tpu.memref_slice %arg9[%dma_start3A_40, %dma_start3A_41] : memref<92x128xi32, #tpu.memory_space<vmem>> -> memref<65x128xi32, #tpu.memory_space<vmem>>
        %dma_start3A_43 = arith.constant 0 : i32
        %dma_start3A_44 = arith.constant 0 : i32
        %dma_start3A_45 = tpu.memref_slice %arg5[%arg1, %dma_start3A_43, %dma_start3A_44] : memref<16x65x128xi32, #tpu.memory_space<hbm>> -> memref<1x65x128xi32, #tpu.memory_space<hbm>>
        %dma_start3A_46 = tpu.memref_squeeze %dma_start3A_45 : memref<1x65x128xi32, #tpu.memory_space<hbm>> -> memref<65x128xi32, #tpu.memory_space<hbm>>
        %dma_start3A_47 = arith.constant 0 : i32
        %dma_start3A_48 = arith.constant 0 : i32
        %dma_start3A_49 = tpu.memref_slice %arg9[%dma_start3A_47, %dma_start3A_48] : memref<92x128xi32, #tpu.memory_space<vmem>> -> memref<65x128xi32, #tpu.memory_space<vmem>>
        %dma_start3A_50 = arith.constant 0 : i32
        %dma_start3A_51 = arith.constant 0 : i32
        %dma_start3A_52 = tpu.memref_slice %arg5[%arg1, %dma_start3A_50, %dma_start3A_51] : memref<16x65x128xi32, #tpu.memory_space<hbm>> -> memref<1x65x128xi32, #tpu.memory_space<hbm>>
        %dma_start3A_53 = tpu.memref_squeeze %dma_start3A_52 : memref<1x65x128xi32, #tpu.memory_space<hbm>> -> memref<65x128xi32, #tpu.memory_space<hbm>>
        tpu.enqueue_dma source(%dma_start3A_53 : memref<65x128xi32, #tpu.memory_space<hbm>>) target(%dma_start3A_49 : memref<65x128xi32, #tpu.memory_space<vmem>>) target_semaphore(%run_scoped3A : memref<!tpu.dma_semaphore, #tpu.memory_space<semaphore_mem>>)
        %dma_wait3A_54 = arith.constant 0 : i32
        %dma_wait3A_55 = arith.constant 0 : i32
        %dma_wait3A_56 = tpu.memref_slice %arg9[%dma_wait3A_54, %dma_wait3A_55] : memref<92x128xi32, #tpu.memory_space<vmem>> -> memref<65x128xi32, #tpu.memory_space<vmem>>
        %dma_wait3A_57 = arith.constant 0 : i32
        %dma_wait3A_58 = arith.constant 0 : i32
        %dma_wait3A_59 = tpu.memref_slice %arg5[%arg1, %dma_wait3A_57, %dma_wait3A_58] : memref<16x65x128xi32, #tpu.memory_space<hbm>> -> memref<1x65x128xi32, #tpu.memory_space<hbm>>
        %dma_wait3A_60 = tpu.memref_squeeze %dma_wait3A_59 : memref<1x65x128xi32, #tpu.memory_space<hbm>> -> memref<65x128xi32, #tpu.memory_space<hbm>>
        %dma_wait3A_61 = arith.constant 0 : i32
        %dma_wait3A_62 = arith.constant 0 : i32
        %dma_wait3A_63 = tpu.memref_slice %arg9[%dma_wait3A_61, %dma_wait3A_62] : memref<92x128xi32, #tpu.memory_space<vmem>> -> memref<65x128xi32, #tpu.memory_space<vmem>>
        %dma_wait3A_64 = arith.constant 0 : i32
        %dma_wait3A_65 = arith.constant 0 : i32
        %dma_wait3A_66 = tpu.memref_slice %arg5[%arg1, %dma_wait3A_64, %dma_wait3A_65] : memref<16x65x128xi32, #tpu.memory_space<hbm>> -> memref<1x65x128xi32, #tpu.memory_space<hbm>>
        %dma_wait3A_67 = tpu.memref_squeeze %dma_wait3A_66 : memref<1x65x128xi32, #tpu.memory_space<hbm>> -> memref<65x128xi32, #tpu.memory_space<hbm>>
        tpu.wait_dma2 semaphore(%run_scoped3A : memref<!tpu.dma_semaphore, #tpu.memory_space<semaphore_mem>>) src(%dma_wait3A_67 : memref<65x128xi32, #tpu.memory_space<hbm>>) dst(%dma_wait3A_63 : memref<65x128xi32, #tpu.memory_space<vmem>>)
        tpu.yield
      }) : () -> ()
      "tpu.region"() ({
        %run_scoped3A = tpu.sem_alloc : memref<!tpu.dma_semaphore, #tpu.memory_space<semaphore_mem>>
        %dma_start3A_40 = arith.constant 0 : i32
        %dma_start3A_41 = arith.constant 0 : i32
        %dma_start3A_42 = tpu.memref_slice %arg10[%dma_start3A_40, %dma_start3A_41] : memref<92x128xi32, #tpu.memory_space<vmem>> -> memref<65x128xi32, #tpu.memory_space<vmem>>
        %dma_start3A_43 = arith.constant 0 : i32
        %dma_start3A_44 = arith.constant 0 : i32
        %dma_start3A_45 = tpu.memref_slice %arg6[%arg1, %dma_start3A_43, %dma_start3A_44] : memref<16x65x128xi32, #tpu.memory_space<hbm>> -> memref<1x65x128xi32, #tpu.memory_space<hbm>>
        %dma_start3A_46 = tpu.memref_squeeze %dma_start3A_45 : memref<1x65x128xi32, #tpu.memory_space<hbm>> -> memref<65x128xi32, #tpu.memory_space<hbm>>
        %dma_start3A_47 = arith.constant 0 : i32
        %dma_start3A_48 = arith.constant 0 : i32
        %dma_start3A_49 = tpu.memref_slice %arg10[%dma_start3A_47, %dma_start3A_48] : memref<92x128xi32, #tpu.memory_space<vmem>> -> memref<65x128xi32, #tpu.memory_space<vmem>>
        %dma_start3A_50 = arith.constant 0 : i32
        %dma_start3A_51 = arith.constant 0 : i32
        %dma_start3A_52 = tpu.memref_slice %arg6[%arg1, %dma_start3A_50, %dma_start3A_51] : memref<16x65x128xi32, #tpu.memory_space<hbm>> -> memref<1x65x128xi32, #tpu.memory_space<hbm>>
        %dma_start3A_53 = tpu.memref_squeeze %dma_start3A_52 : memref<1x65x128xi32, #tpu.memory_space<hbm>> -> memref<65x128xi32, #tpu.memory_space<hbm>>
        tpu.enqueue_dma source(%dma_start3A_53 : memref<65x128xi32, #tpu.memory_space<hbm>>) target(%dma_start3A_49 : memref<65x128xi32, #tpu.memory_space<vmem>>) target_semaphore(%run_scoped3A : memref<!tpu.dma_semaphore, #tpu.memory_space<semaphore_mem>>)
        %dma_wait3A_54 = arith.constant 0 : i32
        %dma_wait3A_55 = arith.constant 0 : i32
        %dma_wait3A_56 = tpu.memref_slice %arg10[%dma_wait3A_54, %dma_wait3A_55] : memref<92x128xi32, #tpu.memory_space<vmem>> -> memref<65x128xi32, #tpu.memory_space<vmem>>
        %dma_wait3A_57 = arith.constant 0 : i32
        %dma_wait3A_58 = arith.constant 0 : i32
        %dma_wait3A_59 = tpu.memref_slice %arg6[%arg1, %dma_wait3A_57, %dma_wait3A_58] : memref<16x65x128xi32, #tpu.memory_space<hbm>> -> memref<1x65x128xi32, #tpu.memory_space<hbm>>
        %dma_wait3A_60 = tpu.memref_squeeze %dma_wait3A_59 : memref<1x65x128xi32, #tpu.memory_space<hbm>> -> memref<65x128xi32, #tpu.memory_space<hbm>>
        %dma_wait3A_61 = arith.constant 0 : i32
        %dma_wait3A_62 = arith.constant 0 : i32
        %dma_wait3A_63 = tpu.memref_slice %arg10[%dma_wait3A_61, %dma_wait3A_62] : memref<92x128xi32, #tpu.memory_space<vmem>> -> memref<65x128xi32, #tpu.memory_space<vmem>>
        %dma_wait3A_64 = arith.constant 0 : i32
        %dma_wait3A_65 = arith.constant 0 : i32
        %dma_wait3A_66 = tpu.memref_slice %arg6[%arg1, %dma_wait3A_64, %dma_wait3A_65] : memref<16x65x128xi32, #tpu.memory_space<hbm>> -> memref<1x65x128xi32, #tpu.memory_space<hbm>>
        %dma_wait3A_67 = tpu.memref_squeeze %dma_wait3A_66 : memref<1x65x128xi32, #tpu.memory_space<hbm>> -> memref<65x128xi32, #tpu.memory_space<hbm>>
        tpu.wait_dma2 semaphore(%run_scoped3A : memref<!tpu.dma_semaphore, #tpu.memory_space<semaphore_mem>>) src(%dma_wait3A_67 : memref<65x128xi32, #tpu.memory_space<hbm>>) dst(%dma_wait3A_63 : memref<65x128xi32, #tpu.memory_space<vmem>>)
        tpu.yield
      }) : () -> ()
      %dma_start3A = arith.constant 0 : i32
      %dma_start3A_9 = arith.constant 0 : i32
      %dma_start3A_10 = tpu.memref_slice %arg9[%dma_start3A, %dma_start3A_9] : memref<92x128xi32, #tpu.memory_space<vmem>> -> memref<1x128xi32, #tpu.memory_space<vmem>>
      %dma_start3A_11 = tpu.memref_squeeze %dma_start3A_10 : memref<1x128xi32, #tpu.memory_space<vmem>> -> memref<128xi32, #tpu.memory_space<vmem>>
      %dma_start3A_12 = arith.constant 0 : i32
      %dma_start3A_13 = arith.constant 0 : i32
      %dma_start3A_14 = tpu.memref_slice %arg2[%dma_start3A_12, %dma_start3A_13] : memref<10000x128xf32, #tpu.memory_space<hbm>> -> memref<10000x128xf32, #tpu.memory_space<hbm>>
      tpu.enqueue_indirect_dma source(%dma_start3A_14 : memref<10000x128xf32, #tpu.memory_space<hbm>>) target(%arg11 : memref<128x128xf32, #tpu.memory_space<vmem>>) offsets(%dma_start3A_11 : memref<128xi32, #tpu.memory_space<vmem>>) semaphore(%arg13 : memref<!tpu.dma_semaphore, #tpu.memory_space<semaphore_mem>>)
      %scan3A = arith.constant 0 : i32
      %scan3A_15 = arith.constant 0 : i32
      %scan3A_16 = arith.constant 64 : i32
      %scan3A_17 = arith.addi %scan3A_15, %scan3A_16 : i32
      %scan3A_18 = arith.constant 1 : i32
      scf.for %scan3A_40 = %scan3A_15 to %scan3A_17 step %scan3A_18  : i32 {
        %dma_wait3A_41 = arith.constant 0 : i32
        %dma_wait3A_42 = tpu.memref_slice %arg9[%scan3A_40, %dma_wait3A_41] : memref<92x128xi32, #tpu.memory_space<vmem>> -> memref<1x128xi32, #tpu.memory_space<vmem>>
        %dma_wait3A_43 = tpu.memref_squeeze %dma_wait3A_42 : memref<1x128xi32, #tpu.memory_space<vmem>> -> memref<128xi32, #tpu.memory_space<vmem>>
        %dma_wait3A_44 = arith.constant 0 : i32
        %dma_wait3A_45 = arith.constant 0 : i32
        %dma_wait3A_46 = tpu.memref_slice %arg2[%dma_wait3A_44, %dma_wait3A_45] : memref<10000x128xf32, #tpu.memory_space<hbm>> -> memref<10000x128xf32, #tpu.memory_space<hbm>>
        tpu.wait_indirect_dma semaphore(%arg13 : memref<!tpu.dma_semaphore, #tpu.memory_space<semaphore_mem>>) src(%dma_wait3A_46 : memref<10000x128xf32, #tpu.memory_space<hbm>>) dst(%arg11 : memref<128x128xf32, #tpu.memory_space<vmem>>)
        %dma_start3A_47 = arith.constant 0 : i32
        %dma_start3A_48 = tpu.memref_slice %arg10[%scan3A_40, %dma_start3A_47] : memref<92x128xi32, #tpu.memory_space<vmem>> -> memref<1x128xi32, #tpu.memory_space<vmem>>
        %dma_start3A_49 = tpu.memref_squeeze %dma_start3A_48 : memref<1x128xi32, #tpu.memory_space<vmem>> -> memref<128xi32, #tpu.memory_space<vmem>>
        %dma_start3A_50 = arith.constant 0 : i32
        %dma_start3A_51 = arith.constant 0 : i32
        %dma_start3A_52 = tpu.memref_slice %arg12[%dma_start3A_50, %dma_start3A_51] : memref<10112x128xf32, #tpu.memory_space<vmem_shared>> -> memref<10112x128xf32, #tpu.memory_space<vmem_shared>>
        tpu.enqueue_indirect_dma source(%arg11 : memref<128x128xf32, #tpu.memory_space<vmem>>) target(%dma_start3A_52 : memref<10112x128xf32, #tpu.memory_space<vmem_shared>>) offsets(%dma_start3A_49 : memref<128xi32, #tpu.memory_space<vmem>>) semaphore(%arg14 : memref<!tpu.dma_semaphore, #tpu.memory_space<semaphore_mem>>) {add = true}
        %dma_wait3A_53 = arith.constant 0 : i32
        %dma_wait3A_54 = tpu.memref_slice %arg10[%scan3A_40, %dma_wait3A_53] : memref<92x128xi32, #tpu.memory_space<vmem>> -> memref<1x128xi32, #tpu.memory_space<vmem>>
        %dma_wait3A_55 = tpu.memref_squeeze %dma_wait3A_54 : memref<1x128xi32, #tpu.memory_space<vmem>> -> memref<128xi32, #tpu.memory_space<vmem>>
        %dma_wait3A_56 = arith.constant 0 : i32
        %dma_wait3A_57 = arith.constant 0 : i32
        %dma_wait3A_58 = tpu.memref_slice %arg12[%dma_wait3A_56, %dma_wait3A_57] : memref<10112x128xf32, #tpu.memory_space<vmem_shared>> -> memref<10112x128xf32, #tpu.memory_space<vmem_shared>>
        tpu.wait_indirect_dma semaphore(%arg14 : memref<!tpu.dma_semaphore, #tpu.memory_space<semaphore_mem>>) src(%arg11 : memref<128x128xf32, #tpu.memory_space<vmem>>) dst(%dma_wait3A_58 : memref<10112x128xf32, #tpu.memory_space<vmem_shared>>)
        %add3A = arith.constant 1 : i32
        %add3A_59 = arith.addi %scan3A_40, %add3A : i32
        %dma_start3A_60 = arith.constant 0 : i32
        %dma_start3A_61 = tpu.memref_slice %arg9[%add3A_59, %dma_start3A_60] : memref<92x128xi32, #tpu.memory_space<vmem>> -> memref<1x128xi32, #tpu.memory_space<vmem>>
        %dma_start3A_62 = tpu.memref_squeeze %dma_start3A_61 : memref<1x128xi32, #tpu.memory_space<vmem>> -> memref<128xi32, #tpu.memory_space<vmem>>
        %dma_start3A_63 = arith.constant 0 : i32
        %dma_start3A_64 = arith.constant 0 : i32
        %dma_start3A_65 = tpu.memref_slice %arg2[%dma_start3A_63, %dma_start3A_64] : memref<10000x128xf32, #tpu.memory_space<hbm>> -> memref<10000x128xf32, #tpu.memory_space<hbm>>
        tpu.enqueue_indirect_dma source(%dma_start3A_65 : memref<10000x128xf32, #tpu.memory_space<hbm>>) target(%arg11 : memref<128x128xf32, #tpu.memory_space<vmem>>) offsets(%dma_start3A_62 : memref<128xi32, #tpu.memory_space<vmem>>) semaphore(%arg13 : memref<!tpu.dma_semaphore, #tpu.memory_space<semaphore_mem>>)
      }
      %scan3A_19 = arith.constant 64 : i32
      %dma_wait3A = arith.constant 64 : i32
      %dma_wait3A_20 = arith.constant 0 : i32
      %dma_wait3A_21 = tpu.memref_slice %arg9[%dma_wait3A, %dma_wait3A_20] : memref<92x128xi32, #tpu.memory_space<vmem>> -> memref<1x128xi32, #tpu.memory_space<vmem>>
      %dma_wait3A_22 = tpu.memref_squeeze %dma_wait3A_21 : memref<1x128xi32, #tpu.memory_space<vmem>> -> memref<128xi32, #tpu.memory_space<vmem>>
      %dma_wait3A_23 = arith.constant 0 : i32
      %dma_wait3A_24 = arith.constant 0 : i32
      %dma_wait3A_25 = tpu.memref_slice %arg2[%dma_wait3A_23, %dma_wait3A_24] : memref<10000x128xf32, #tpu.memory_space<hbm>> -> memref<10000x128xf32, #tpu.memory_space<hbm>>
      tpu.wait_indirect_dma semaphore(%arg13 : memref<!tpu.dma_semaphore, #tpu.memory_space<semaphore_mem>>) src(%dma_wait3A_25 : memref<10000x128xf32, #tpu.memory_space<hbm>>) dst(%arg11 : memref<128x128xf32, #tpu.memory_space<vmem>>)
      %dma_start3A_26 = arith.constant 64 : i32
      %dma_start3A_27 = arith.constant 0 : i32
      %dma_start3A_28 = tpu.memref_slice %arg10[%dma_start3A_26, %dma_start3A_27] : memref<92x128xi32, #tpu.memory_space<vmem>> -> memref<1x128xi32, #tpu.memory_space<vmem>>
      %dma_start3A_29 = tpu.memref_squeeze %dma_start3A_28 : memref<1x128xi32, #tpu.memory_space<vmem>> -> memref<128xi32, #tpu.memory_space<vmem>>
      %dma_start3A_30 = arith.constant 0 : i32
      %dma_start3A_31 = arith.constant 0 : i32
      %dma_start3A_32 = tpu.memref_slice %arg12[%dma_start3A_30, %dma_start3A_31] : memref<10112x128xf32, #tpu.memory_space<vmem_shared>> -> memref<10112x128xf32, #tpu.memory_space<vmem_shared>>
      tpu.enqueue_indirect_dma source(%arg11 : memref<128x128xf32, #tpu.memory_space<vmem>>) target(%dma_start3A_32 : memref<10112x128xf32, #tpu.memory_space<vmem_shared>>) offsets(%dma_start3A_29 : memref<128xi32, #tpu.memory_space<vmem>>) semaphore(%arg14 : memref<!tpu.dma_semaphore, #tpu.memory_space<semaphore_mem>>) {add = true}
      %dma_wait3A_33 = arith.constant 64 : i32
      %dma_wait3A_34 = arith.constant 0 : i32
      %dma_wait3A_35 = tpu.memref_slice %arg10[%dma_wait3A_33, %dma_wait3A_34] : memref<92x128xi32, #tpu.memory_space<vmem>> -> memref<1x128xi32, #tpu.memory_space<vmem>>
      %dma_wait3A_36 = tpu.memref_squeeze %dma_wait3A_35 : memref<1x128xi32, #tpu.memory_space<vmem>> -> memref<128xi32, #tpu.memory_space<vmem>>
      %dma_wait3A_37 = arith.constant 0 : i32
      %dma_wait3A_38 = arith.constant 0 : i32
      %dma_wait3A_39 = tpu.memref_slice %arg12[%dma_wait3A_37, %dma_wait3A_38] : memref<10112x128xf32, #tpu.memory_space<vmem_shared>> -> memref<10112x128xf32, #tpu.memory_space<vmem_shared>>
      tpu.wait_indirect_dma semaphore(%arg14 : memref<!tpu.dma_semaphore, #tpu.memory_space<semaphore_mem>>) src(%arg11 : memref<128x128xf32, #tpu.memory_space<vmem>>) dst(%dma_wait3A_39 : memref<10112x128xf32, #tpu.memory_space<vmem_shared>>)
    } else {
    }
    %barrier3A_8 = arith.constant 0 : index
    tpu.barrier barrier_id(%barrier3A_8)
    "tpu.region"() ({
      %run_scoped3A = tpu.sem_alloc : memref<!tpu.dma_semaphore, #tpu.memory_space<semaphore_mem>>
      %dma_start3A = arith.constant 0 : i32
      %dma_start3A_9 = tpu.memref_slice %arg8[%arg0, %mul3A_0, %dma_start3A] : memref<2x10112x128xf32, #tpu.memory_space<hbm>> -> memref<1x632x128xf32, #tpu.memory_space<hbm>>
      %dma_start3A_10 = tpu.memref_squeeze %dma_start3A_9 : memref<1x632x128xf32, #tpu.memory_space<hbm>> -> memref<632x128xf32, #tpu.memory_space<hbm>>
      %dma_start3A_11 = arith.constant 0 : i32
      %dma_start3A_12 = tpu.memref_slice %arg12[%mul3A_0, %dma_start3A_11] : memref<10112x128xf32, #tpu.memory_space<vmem_shared>> -> memref<632x128xf32, #tpu.memory_space<vmem_shared>>
      tpu.enqueue_dma source(%dma_start3A_12 : memref<632x128xf32, #tpu.memory_space<vmem_shared>>) target(%dma_start3A_10 : memref<632x128xf32, #tpu.memory_space<hbm>>) target_semaphore(%run_scoped3A : memref<!tpu.dma_semaphore, #tpu.memory_space<semaphore_mem>>)
      %dma_wait3A = arith.constant 0 : i32
      %dma_wait3A_13 = tpu.memref_slice %arg8[%arg0, %mul3A_0, %dma_wait3A] : memref<2x10112x128xf32, #tpu.memory_space<hbm>> -> memref<1x632x128xf32, #tpu.memory_space<hbm>>
      %dma_wait3A_14 = tpu.memref_squeeze %dma_wait3A_13 : memref<1x632x128xf32, #tpu.memory_space<hbm>> -> memref<632x128xf32, #tpu.memory_space<hbm>>
      %dma_wait3A_15 = arith.constant 0 : i32
      %dma_wait3A_16 = tpu.memref_slice %arg12[%mul3A_0, %dma_wait3A_15] : memref<10112x128xf32, #tpu.memory_space<vmem_shared>> -> memref<632x128xf32, #tpu.memory_space<vmem_shared>>
      tpu.wait_dma2 semaphore(%run_scoped3A : memref<!tpu.dma_semaphore, #tpu.memory_space<semaphore_mem>>) src(%dma_wait3A_16 : memref<632x128xf32, #tpu.memory_space<vmem_shared>>) dst(%dma_wait3A_14 : memref<632x128xf32, #tpu.memory_space<hbm>>)
      tpu.yield
    }) : () -> ()
    return
  }
}

#map = affine_map<(d0, d1) -> (0, 0)>
#map1 = affine_map<(d0, d1) -> (0, 0, 0)>
module attributes {stable_mosaic.version = 14 : i64} {
  func.func @k(%arg0: i32, %arg1: i32, %arg2: memref<10000x128xf32, #tpu.memory_space<hbm>>, %arg3: memref<16x92x128xi32, #tpu.memory_space<hbm>>, %arg4: memref<16x92x128xi32, #tpu.memory_space<hbm>>, %arg5: memref<16x65x128xi32, #tpu.memory_space<hbm>>, %arg6: memref<16x65x128xi32, #tpu.memory_space<hbm>>, %arg7: memref<10112x128xf32, #tpu.memory_space<hbm>>, %arg8: memref<2x10112x128xf32, #tpu.memory_space<hbm>>, %arg9: memref<92x128xi32, #tpu.memory_space<vmem>>, %arg10: memref<92x128xi32, #tpu.memory_space<vmem>>, %arg11: memref<128x128xf32, #tpu.memory_space<vmem>>, %arg12: memref<10112x128xf32, #tpu.memory_space<vmem_shared>>, %arg13: memref<!tpu.dma_semaphore, #tpu.memory_space<semaphore_mem>>, %arg14: memref<!tpu.dma_semaphore, #tpu.memory_space<semaphore_mem>>) attributes {dimension_semantics = [#tpu.dimension_semantics<core_parallel>, #tpu.dimension_semantics<subcore_parallel>], iteration_bounds = array<i64: 2, 16>, scalar_prefetch = 0 : i64, scratch_operands = 6 : i64, tpu.core_type = #tpu.core_type<sc_vector_subcore>, window_params = [{transform_indices = #map}, {transform_indices = #map1}, {transform_indices = #map1}, {transform_indices = #map1}, {transform_indices = #map1}, {transform_indices = #map}, {transform_indices = #map1}]} {
    %mul3A = arith.constant 632 : i32
    %mul3A_0 = arith.muli %arg1, %mul3A : i32
    "tpu.region"() ({
      %run_scoped3A = tpu.sem_alloc : memref<!tpu.dma_semaphore, #tpu.memory_space<semaphore_mem>>
      %dma_start3A = arith.constant 0 : i32
      %dma_start3A_9 = tpu.memref_slice %arg12[%mul3A_0, %dma_start3A] : memref<10112x128xf32, #tpu.memory_space<vmem_shared>> -> memref<632x128xf32, #tpu.memory_space<vmem_shared>>
      %dma_start3A_10 = arith.constant 0 : i32
      %dma_start3A_11 = tpu.memref_slice %arg7[%mul3A_0, %dma_start3A_10] : memref<10112x128xf32, #tpu.memory_space<hbm>> -> memref<632x128xf32, #tpu.memory_space<hbm>>
      tpu.enqueue_dma source(%dma_start3A_11 : memref<632x128xf32, #tpu.memory_space<hbm>>) target(%dma_start3A_9 : memref<632x128xf32, #tpu.memory_space<vmem_shared>>) target_semaphore(%run_scoped3A : memref<!tpu.dma_semaphore, #tpu.memory_space<semaphore_mem>>)
      %dma_wait3A = arith.constant 0 : i32
      %dma_wait3A_12 = tpu.memref_slice %arg12[%mul3A_0, %dma_wait3A] : memref<10112x128xf32, #tpu.memory_space<vmem_shared>> -> memref<632x128xf32, #tpu.memory_space<vmem_shared>>
      %dma_wait3A_13 = arith.constant 0 : i32
      %dma_wait3A_14 = tpu.memref_slice %arg7[%mul3A_0, %dma_wait3A_13] : memref<10112x128xf32, #tpu.memory_space<hbm>> -> memref<632x128xf32, #tpu.memory_space<hbm>>
      tpu.wait_dma2 semaphore(%run_scoped3A : memref<!tpu.dma_semaphore, #tpu.memory_space<semaphore_mem>>) src(%dma_wait3A_14 : memref<632x128xf32, #tpu.memory_space<hbm>>) dst(%dma_wait3A_12 : memref<632x128xf32, #tpu.memory_space<vmem_shared>>)
      tpu.yield
    }) : () -> ()
    %barrier3A = arith.constant 0 : index
    tpu.barrier barrier_id(%barrier3A)
    %eq3A = arith.constant 0 : i32
    %eq3A_1 = arith.cmpi eq, %arg0, %eq3A : i32
    %convert_element_type3A = arith.extui %eq3A_1 : i1 to i32
    %cond3A = arith.constant 0 : i32
    %cond3A_2 = arith.cmpi ne, %convert_element_type3A, %cond3A : i32
    scf.if %cond3A_2 {
      "tpu.region"() ({
        %run_scoped3A = tpu.sem_alloc : memref<!tpu.dma_semaphore, #tpu.memory_space<semaphore_mem>>
        %dma_start3A_40 = arith.constant 0 : i32
        %dma_start3A_41 = arith.constant 0 : i32
        %dma_start3A_42 = tpu.memref_slice %arg9[%dma_start3A_40, %dma_start3A_41] : memref<92x128xi32, #tpu.memory_space<vmem>> -> memref<92x128xi32, #tpu.memory_space<vmem>>
        %dma_start3A_43 = arith.constant 0 : i32
        %dma_start3A_44 = arith.constant 0 : i32
        %dma_start3A_45 = tpu.memref_slice %arg3[%arg1, %dma_start3A_43, %dma_start3A_44] : memref<16x92x128xi32, #tpu.memory_space<hbm>> -> memref<1x92x128xi32, #tpu.memory_space<hbm>>
        %dma_start3A_46 = tpu.memref_squeeze %dma_start3A_45 : memref<1x92x128xi32, #tpu.memory_space<hbm>> -> memref<92x128xi32, #tpu.memory_space<hbm>>
        %dma_start3A_47 = arith.constant 0 : i32
        %dma_start3A_48 = arith.constant 0 : i32
        %dma_start3A_49 = tpu.memref_slice %arg9[%dma_start3A_47, %dma_start3A_48] : memref<92x128xi32, #tpu.memory_space<vmem>> -> memref<92x128xi32, #tpu.memory_space<vmem>>
        %dma_start3A_50 = arith.constant 0 : i32
        %dma_start3A_51 = arith.constant 0 : i32
        %dma_start3A_52 = tpu.memref_slice %arg3[%arg1, %dma_start3A_50, %dma_start3A_51] : memref<16x92x128xi32, #tpu.memory_space<hbm>> -> memref<1x92x128xi32, #tpu.memory_space<hbm>>
        %dma_start3A_53 = tpu.memref_squeeze %dma_start3A_52 : memref<1x92x128xi32, #tpu.memory_space<hbm>> -> memref<92x128xi32, #tpu.memory_space<hbm>>
        tpu.enqueue_dma source(%dma_start3A_53 : memref<92x128xi32, #tpu.memory_space<hbm>>) target(%dma_start3A_49 : memref<92x128xi32, #tpu.memory_space<vmem>>) target_semaphore(%run_scoped3A : memref<!tpu.dma_semaphore, #tpu.memory_space<semaphore_mem>>)
        %dma_wait3A_54 = arith.constant 0 : i32
        %dma_wait3A_55 = arith.constant 0 : i32
        %dma_wait3A_56 = tpu.memref_slice %arg9[%dma_wait3A_54, %dma_wait3A_55] : memref<92x128xi32, #tpu.memory_space<vmem>> -> memref<92x128xi32, #tpu.memory_space<vmem>>
        %dma_wait3A_57 = arith.constant 0 : i32
        %dma_wait3A_58 = arith.constant 0 : i32
        %dma_wait3A_59 = tpu.memref_slice %arg3[%arg1, %dma_wait3A_57, %dma_wait3A_58] : memref<16x92x128xi32, #tpu.memory_space<hbm>> -> memref<1x92x128xi32, #tpu.memory_space<hbm>>
        %dma_wait3A_60 = tpu.memref_squeeze %dma_wait3A_59 : memref<1x92x128xi32, #tpu.memory_space<hbm>> -> memref<92x128xi32, #tpu.memory_space<hbm>>
        %dma_wait3A_61 = arith.constant 0 : i32
        %dma_wait3A_62 = arith.constant 0 : i32
        %dma_wait3A_63 = tpu.memref_slice %arg9[%dma_wait3A_61, %dma_wait3A_62] : memref<92x128xi32, #tpu.memory_space<vmem>> -> memref<92x128xi32, #tpu.memory_space<vmem>>
        %dma_wait3A_64 = arith.constant 0 : i32
        %dma_wait3A_65 = arith.constant 0 : i32
        %dma_wait3A_66 = tpu.memref_slice %arg3[%arg1, %dma_wait3A_64, %dma_wait3A_65] : memref<16x92x128xi32, #tpu.memory_space<hbm>> -> memref<1x92x128xi32, #tpu.memory_space<hbm>>
        %dma_wait3A_67 = tpu.memref_squeeze %dma_wait3A_66 : memref<1x92x128xi32, #tpu.memory_space<hbm>> -> memref<92x128xi32, #tpu.memory_space<hbm>>
        tpu.wait_dma2 semaphore(%run_scoped3A : memref<!tpu.dma_semaphore, #tpu.memory_space<semaphore_mem>>) src(%dma_wait3A_67 : memref<92x128xi32, #tpu.memory_space<hbm>>) dst(%dma_wait3A_63 : memref<92x128xi32, #tpu.memory_space<vmem>>)
        tpu.yield
      }) : () -> ()
      "tpu.region"() ({
        %run_scoped3A = tpu.sem_alloc : memref<!tpu.dma_semaphore, #tpu.memory_space<semaphore_mem>>
        %dma_start3A_40 = arith.constant 0 : i32
        %dma_start3A_41 = arith.constant 0 : i32
        %dma_start3A_42 = tpu.memref_slice %arg10[%dma_start3A_40, %dma_start3A_41] : memref<92x128xi32, #tpu.memory_space<vmem>> -> memref<92x128xi32, #tpu.memory_space<vmem>>
        %dma_start3A_43 = arith.constant 0 : i32
        %dma_start3A_44 = arith.constant 0 : i32
        %dma_start3A_45 = tpu.memref_slice %arg4[%arg1, %dma_start3A_43, %dma_start3A_44] : memref<16x92x128xi32, #tpu.memory_space<hbm>> -> memref<1x92x128xi32, #tpu.memory_space<hbm>>
        %dma_start3A_46 = tpu.memref_squeeze %dma_start3A_45 : memref<1x92x128xi32, #tpu.memory_space<hbm>> -> memref<92x128xi32, #tpu.memory_space<hbm>>
        %dma_start3A_47 = arith.constant 0 : i32
        %dma_start3A_48 = arith.constant 0 : i32
        %dma_start3A_49 = tpu.memref_slice %arg10[%dma_start3A_47, %dma_start3A_48] : memref<92x128xi32, #tpu.memory_space<vmem>> -> memref<92x128xi32, #tpu.memory_space<vmem>>
        %dma_start3A_50 = arith.constant 0 : i32
        %dma_start3A_51 = arith.constant 0 : i32
        %dma_start3A_52 = tpu.memref_slice %arg4[%arg1, %dma_start3A_50, %dma_start3A_51] : memref<16x92x128xi32, #tpu.memory_space<hbm>> -> memref<1x92x128xi32, #tpu.memory_space<hbm>>
        %dma_start3A_53 = tpu.memref_squeeze %dma_start3A_52 : memref<1x92x128xi32, #tpu.memory_space<hbm>> -> memref<92x128xi32, #tpu.memory_space<hbm>>
        tpu.enqueue_dma source(%dma_start3A_53 : memref<92x128xi32, #tpu.memory_space<hbm>>) target(%dma_start3A_49 : memref<92x128xi32, #tpu.memory_space<vmem>>) target_semaphore(%run_scoped3A : memref<!tpu.dma_semaphore, #tpu.memory_space<semaphore_mem>>)
        %dma_wait3A_54 = arith.constant 0 : i32
        %dma_wait3A_55 = arith.constant 0 : i32
        %dma_wait3A_56 = tpu.memref_slice %arg10[%dma_wait3A_54, %dma_wait3A_55] : memref<92x128xi32, #tpu.memory_space<vmem>> -> memref<92x128xi32, #tpu.memory_space<vmem>>
        %dma_wait3A_57 = arith.constant 0 : i32
        %dma_wait3A_58 = arith.constant 0 : i32
        %dma_wait3A_59 = tpu.memref_slice %arg4[%arg1, %dma_wait3A_57, %dma_wait3A_58] : memref<16x92x128xi32, #tpu.memory_space<hbm>> -> memref<1x92x128xi32, #tpu.memory_space<hbm>>
        %dma_wait3A_60 = tpu.memref_squeeze %dma_wait3A_59 : memref<1x92x128xi32, #tpu.memory_space<hbm>> -> memref<92x128xi32, #tpu.memory_space<hbm>>
        %dma_wait3A_61 = arith.constant 0 : i32
        %dma_wait3A_62 = arith.constant 0 : i32
        %dma_wait3A_63 = tpu.memref_slice %arg10[%dma_wait3A_61, %dma_wait3A_62] : memref<92x128xi32, #tpu.memory_space<vmem>> -> memref<92x128xi32, #tpu.memory_space<vmem>>
        %dma_wait3A_64 = arith.constant 0 : i32
        %dma_wait3A_65 = arith.constant 0 : i32
        %dma_wait3A_66 = tpu.memref_slice %arg4[%arg1, %dma_wait3A_64, %dma_wait3A_65] : memref<16x92x128xi32, #tpu.memory_space<hbm>> -> memref<1x92x128xi32, #tpu.memory_space<hbm>>
        %dma_wait3A_67 = tpu.memref_squeeze %dma_wait3A_66 : memref<1x92x128xi32, #tpu.memory_space<hbm>> -> memref<92x128xi32, #tpu.memory_space<hbm>>
        tpu.wait_dma2 semaphore(%run_scoped3A : memref<!tpu.dma_semaphore, #tpu.memory_space<semaphore_mem>>) src(%dma_wait3A_67 : memref<92x128xi32, #tpu.memory_space<hbm>>) dst(%dma_wait3A_63 : memref<92x128xi32, #tpu.memory_space<vmem>>)
        tpu.yield
      }) : () -> ()
      %dma_start3A = arith.constant 0 : i32
      %dma_start3A_9 = arith.constant 0 : i32
      %dma_start3A_10 = tpu.memref_slice %arg9[%dma_start3A, %dma_start3A_9] : memref<92x128xi32, #tpu.memory_space<vmem>> -> memref<1x128xi32, #tpu.memory_space<vmem>>
      %dma_start3A_11 = tpu.memref_squeeze %dma_start3A_10 : memref<1x128xi32, #tpu.memory_space<vmem>> -> memref<128xi32, #tpu.memory_space<vmem>>
      %dma_start3A_12 = arith.constant 0 : i32
      %dma_start3A_13 = arith.constant 0 : i32
      %dma_start3A_14 = tpu.memref_slice %arg2[%dma_start3A_12, %dma_start3A_13] : memref<10000x128xf32, #tpu.memory_space<hbm>> -> memref<10000x128xf32, #tpu.memory_space<hbm>>
      tpu.enqueue_indirect_dma source(%dma_start3A_14 : memref<10000x128xf32, #tpu.memory_space<hbm>>) target(%arg11 : memref<128x128xf32, #tpu.memory_space<vmem>>) offsets(%dma_start3A_11 : memref<128xi32, #tpu.memory_space<vmem>>) semaphore(%arg13 : memref<!tpu.dma_semaphore, #tpu.memory_space<semaphore_mem>>)
      %scan3A = arith.constant 0 : i32
      %scan3A_15 = arith.constant 0 : i32
      %scan3A_16 = arith.constant 91 : i32
      %scan3A_17 = arith.addi %scan3A_15, %scan3A_16 : i32
      %scan3A_18 = arith.constant 1 : i32
      scf.for %scan3A_40 = %scan3A_15 to %scan3A_17 step %scan3A_18  : i32 {
        %dma_wait3A_41 = arith.constant 0 : i32
        %dma_wait3A_42 = tpu.memref_slice %arg9[%scan3A_40, %dma_wait3A_41] : memref<92x128xi32, #tpu.memory_space<vmem>> -> memref<1x128xi32, #tpu.memory_space<vmem>>
        %dma_wait3A_43 = tpu.memref_squeeze %dma_wait3A_42 : memref<1x128xi32, #tpu.memory_space<vmem>> -> memref<128xi32, #tpu.memory_space<vmem>>
        %dma_wait3A_44 = arith.constant 0 : i32
        %dma_wait3A_45 = arith.constant 0 : i32
        %dma_wait3A_46 = tpu.memref_slice %arg2[%dma_wait3A_44, %dma_wait3A_45] : memref<10000x128xf32, #tpu.memory_space<hbm>> -> memref<10000x128xf32, #tpu.memory_space<hbm>>
        tpu.wait_indirect_dma semaphore(%arg13 : memref<!tpu.dma_semaphore, #tpu.memory_space<semaphore_mem>>) src(%dma_wait3A_46 : memref<10000x128xf32, #tpu.memory_space<hbm>>) dst(%arg11 : memref<128x128xf32, #tpu.memory_space<vmem>>)
        %dma_start3A_47 = arith.constant 0 : i32
        %dma_start3A_48 = tpu.memref_slice %arg10[%scan3A_40, %dma_start3A_47] : memref<92x128xi32, #tpu.memory_space<vmem>> -> memref<1x128xi32, #tpu.memory_space<vmem>>
        %dma_start3A_49 = tpu.memref_squeeze %dma_start3A_48 : memref<1x128xi32, #tpu.memory_space<vmem>> -> memref<128xi32, #tpu.memory_space<vmem>>
        %dma_start3A_50 = arith.constant 0 : i32
        %dma_start3A_51 = arith.constant 0 : i32
        %dma_start3A_52 = tpu.memref_slice %arg12[%dma_start3A_50, %dma_start3A_51] : memref<10112x128xf32, #tpu.memory_space<vmem_shared>> -> memref<10112x128xf32, #tpu.memory_space<vmem_shared>>
        tpu.enqueue_indirect_dma source(%arg11 : memref<128x128xf32, #tpu.memory_space<vmem>>) target(%dma_start3A_52 : memref<10112x128xf32, #tpu.memory_space<vmem_shared>>) offsets(%dma_start3A_49 : memref<128xi32, #tpu.memory_space<vmem>>) semaphore(%arg14 : memref<!tpu.dma_semaphore, #tpu.memory_space<semaphore_mem>>) {add = true}
        %dma_wait3A_53 = arith.constant 0 : i32
        %dma_wait3A_54 = tpu.memref_slice %arg10[%scan3A_40, %dma_wait3A_53] : memref<92x128xi32, #tpu.memory_space<vmem>> -> memref<1x128xi32, #tpu.memory_space<vmem>>
        %dma_wait3A_55 = tpu.memref_squeeze %dma_wait3A_54 : memref<1x128xi32, #tpu.memory_space<vmem>> -> memref<128xi32, #tpu.memory_space<vmem>>
        %dma_wait3A_56 = arith.constant 0 : i32
        %dma_wait3A_57 = arith.constant 0 : i32
        %dma_wait3A_58 = tpu.memref_slice %arg12[%dma_wait3A_56, %dma_wait3A_57] : memref<10112x128xf32, #tpu.memory_space<vmem_shared>> -> memref<10112x128xf32, #tpu.memory_space<vmem_shared>>
        tpu.wait_indirect_dma semaphore(%arg14 : memref<!tpu.dma_semaphore, #tpu.memory_space<semaphore_mem>>) src(%arg11 : memref<128x128xf32, #tpu.memory_space<vmem>>) dst(%dma_wait3A_58 : memref<10112x128xf32, #tpu.memory_space<vmem_shared>>)
        %add3A = arith.constant 1 : i32
        %add3A_59 = arith.addi %scan3A_40, %add3A : i32
        %dma_start3A_60 = arith.constant 0 : i32
        %dma_start3A_61 = tpu.memref_slice %arg9[%add3A_59, %dma_start3A_60] : memref<92x128xi32, #tpu.memory_space<vmem>> -> memref<1x128xi32, #tpu.memory_space<vmem>>
        %dma_start3A_62 = tpu.memref_squeeze %dma_start3A_61 : memref<1x128xi32, #tpu.memory_space<vmem>> -> memref<128xi32, #tpu.memory_space<vmem>>
        %dma_start3A_63 = arith.constant 0 : i32
        %dma_start3A_64 = arith.constant 0 : i32
        %dma_start3A_65 = tpu.memref_slice %arg2[%dma_start3A_63, %dma_start3A_64] : memref<10000x128xf32, #tpu.memory_space<hbm>> -> memref<10000x128xf32, #tpu.memory_space<hbm>>
        tpu.enqueue_indirect_dma source(%dma_start3A_65 : memref<10000x128xf32, #tpu.memory_space<hbm>>) target(%arg11 : memref<128x128xf32, #tpu.memory_space<vmem>>) offsets(%dma_start3A_62 : memref<128xi32, #tpu.memory_space<vmem>>) semaphore(%arg13 : memref<!tpu.dma_semaphore, #tpu.memory_space<semaphore_mem>>)
      }
      %scan3A_19 = arith.constant 91 : i32
      %dma_wait3A = arith.constant 91 : i32
      %dma_wait3A_20 = arith.constant 0 : i32
      %dma_wait3A_21 = tpu.memref_slice %arg9[%dma_wait3A, %dma_wait3A_20] : memref<92x128xi32, #tpu.memory_space<vmem>> -> memref<1x128xi32, #tpu.memory_space<vmem>>
      %dma_wait3A_22 = tpu.memref_squeeze %dma_wait3A_21 : memref<1x128xi32, #tpu.memory_space<vmem>> -> memref<128xi32, #tpu.memory_space<vmem>>
      %dma_wait3A_23 = arith.constant 0 : i32
      %dma_wait3A_24 = arith.constant 0 : i32
      %dma_wait3A_25 = tpu.memref_slice %arg2[%dma_wait3A_23, %dma_wait3A_24] : memref<10000x128xf32, #tpu.memory_space<hbm>> -> memref<10000x128xf32, #tpu.memory_space<hbm>>
      tpu.wait_indirect_dma semaphore(%arg13 : memref<!tpu.dma_semaphore, #tpu.memory_space<semaphore_mem>>) src(%dma_wait3A_25 : memref<10000x128xf32, #tpu.memory_space<hbm>>) dst(%arg11 : memref<128x128xf32, #tpu.memory_space<vmem>>)
      %dma_start3A_26 = arith.constant 91 : i32
      %dma_start3A_27 = arith.constant 0 : i32
      %dma_start3A_28 = tpu.memref_slice %arg10[%dma_start3A_26, %dma_start3A_27] : memref<92x128xi32, #tpu.memory_space<vmem>> -> memref<1x128xi32, #tpu.memory_space<vmem>>
      %dma_start3A_29 = tpu.memref_squeeze %dma_start3A_28 : memref<1x128xi32, #tpu.memory_space<vmem>> -> memref<128xi32, #tpu.memory_space<vmem>>
      %dma_start3A_30 = arith.constant 0 : i32
      %dma_start3A_31 = arith.constant 0 : i32
      %dma_start3A_32 = tpu.memref_slice %arg12[%dma_start3A_30, %dma_start3A_31] : memref<10112x128xf32, #tpu.memory_space<vmem_shared>> -> memref<10112x128xf32, #tpu.memory_space<vmem_shared>>
      tpu.enqueue_indirect_dma source(%arg11 : memref<128x128xf32, #tpu.memory_space<vmem>>) target(%dma_start3A_32 : memref<10112x128xf32, #tpu.memory_space<vmem_shared>>) offsets(%dma_start3A_29 : memref<128xi32, #tpu.memory_space<vmem>>) semaphore(%arg14 : memref<!tpu.dma_semaphore, #tpu.memory_space<semaphore_mem>>) {add = true}
      %dma_wait3A_33 = arith.constant 91 : i32
      %dma_wait3A_34 = arith.constant 0 : i32
      %dma_wait3A_35 = tpu.memref_slice %arg10[%dma_wait3A_33, %dma_wait3A_34] : memref<92x128xi32, #tpu.memory_space<vmem>> -> memref<1x128xi32, #tpu.memory_space<vmem>>
      %dma_wait3A_36 = tpu.memref_squeeze %dma_wait3A_35 : memref<1x128xi32, #tpu.memory_space<vmem>> -> memref<128xi32, #tpu.memory_space<vmem>>
      %dma_wait3A_37 = arith.constant 0 : i32
      %dma_wait3A_38 = arith.constant 0 : i32
      %dma_wait3A_39 = tpu.memref_slice %arg12[%dma_wait3A_37, %dma_wait3A_38] : memref<10112x128xf32, #tpu.memory_space<vmem_shared>> -> memref<10112x128xf32, #tpu.memory_space<vmem_shared>>
      tpu.wait_indirect_dma semaphore(%arg14 : memref<!tpu.dma_semaphore, #tpu.memory_space<semaphore_mem>>) src(%arg11 : memref<128x128xf32, #tpu.memory_space<vmem>>) dst(%dma_wait3A_39 : memref<10112x128xf32, #tpu.memory_space<vmem_shared>>)
    } else {
    }
    %eq3A_3 = arith.constant 1 : i32
    %eq3A_4 = arith.cmpi eq, %arg0, %eq3A_3 : i32
    %convert_element_type3A_5 = arith.extui %eq3A_4 : i1 to i32
    %cond3A_6 = arith.constant 0 : i32
    %cond3A_7 = arith.cmpi ne, %convert_element_type3A_5, %cond3A_6 : i32
    scf.if %cond3A_7 {
      "tpu.region"() ({
        %run_scoped3A = tpu.sem_alloc : memref<!tpu.dma_semaphore, #tpu.memory_space<semaphore_mem>>
        %dma_start3A_40 = arith.constant 0 : i32
        %dma_start3A_41 = arith.constant 0 : i32
        %dma_start3A_42 = tpu.memref_slice %arg9[%dma_start3A_40, %dma_start3A_41] : memref<92x128xi32, #tpu.memory_space<vmem>> -> memref<65x128xi32, #tpu.memory_space<vmem>>
        %dma_start3A_43 = arith.constant 0 : i32
        %dma_start3A_44 = arith.constant 0 : i32
        %dma_start3A_45 = tpu.memref_slice %arg5[%arg1, %dma_start3A_43, %dma_start3A_44] : memref<16x65x128xi32, #tpu.memory_space<hbm>> -> memref<1x65x128xi32, #tpu.memory_space<hbm>>
        %dma_start3A_46 = tpu.memref_squeeze %dma_start3A_45 : memref<1x65x128xi32, #tpu.memory_space<hbm>> -> memref<65x128xi32, #tpu.memory_space<hbm>>
        %dma_start3A_47 = arith.constant 0 : i32
        %dma_start3A_48 = arith.constant 0 : i32
        %dma_start3A_49 = tpu.memref_slice %arg9[%dma_start3A_47, %dma_start3A_48] : memref<92x128xi32, #tpu.memory_space<vmem>> -> memref<65x128xi32, #tpu.memory_space<vmem>>
        %dma_start3A_50 = arith.constant 0 : i32
        %dma_start3A_51 = arith.constant 0 : i32
        %dma_start3A_52 = tpu.memref_slice %arg5[%arg1, %dma_start3A_50, %dma_start3A_51] : memref<16x65x128xi32, #tpu.memory_space<hbm>> -> memref<1x65x128xi32, #tpu.memory_space<hbm>>
        %dma_start3A_53 = tpu.memref_squeeze %dma_start3A_52 : memref<1x65x128xi32, #tpu.memory_space<hbm>> -> memref<65x128xi32, #tpu.memory_space<hbm>>
        tpu.enqueue_dma source(%dma_start3A_53 : memref<65x128xi32, #tpu.memory_space<hbm>>) target(%dma_start3A_49 : memref<65x128xi32, #tpu.memory_space<vmem>>) target_semaphore(%run_scoped3A : memref<!tpu.dma_semaphore, #tpu.memory_space<semaphore_mem>>)
        %dma_wait3A_54 = arith.constant 0 : i32
        %dma_wait3A_55 = arith.constant 0 : i32
        %dma_wait3A_56 = tpu.memref_slice %arg9[%dma_wait3A_54, %dma_wait3A_55] : memref<92x128xi32, #tpu.memory_space<vmem>> -> memref<65x128xi32, #tpu.memory_space<vmem>>
        %dma_wait3A_57 = arith.constant 0 : i32
        %dma_wait3A_58 = arith.constant 0 : i32
        %dma_wait3A_59 = tpu.memref_slice %arg5[%arg1, %dma_wait3A_57, %dma_wait3A_58] : memref<16x65x128xi32, #tpu.memory_space<hbm>> -> memref<1x65x128xi32, #tpu.memory_space<hbm>>
        %dma_wait3A_60 = tpu.memref_squeeze %dma_wait3A_59 : memref<1x65x128xi32, #tpu.memory_space<hbm>> -> memref<65x128xi32, #tpu.memory_space<hbm>>
        %dma_wait3A_61 = arith.constant 0 : i32
        %dma_wait3A_62 = arith.constant 0 : i32
        %dma_wait3A_63 = tpu.memref_slice %arg9[%dma_wait3A_61, %dma_wait3A_62] : memref<92x128xi32, #tpu.memory_space<vmem>> -> memref<65x128xi32, #tpu.memory_space<vmem>>
        %dma_wait3A_64 = arith.constant 0 : i32
        %dma_wait3A_65 = arith.constant 0 : i32
        %dma_wait3A_66 = tpu.memref_slice %arg5[%arg1, %dma_wait3A_64, %dma_wait3A_65] : memref<16x65x128xi32, #tpu.memory_space<hbm>> -> memref<1x65x128xi32, #tpu.memory_space<hbm>>
        %dma_wait3A_67 = tpu.memref_squeeze %dma_wait3A_66 : memref<1x65x128xi32, #tpu.memory_space<hbm>> -> memref<65x128xi32, #tpu.memory_space<hbm>>
        tpu.wait_dma2 semaphore(%run_scoped3A : memref<!tpu.dma_semaphore, #tpu.memory_space<semaphore_mem>>) src(%dma_wait3A_67 : memref<65x128xi32, #tpu.memory_space<hbm>>) dst(%dma_wait3A_63 : memref<65x128xi32, #tpu.memory_space<vmem>>)
        tpu.yield
      }) : () -> ()
      "tpu.region"() ({
        %run_scoped3A = tpu.sem_alloc : memref<!tpu.dma_semaphore, #tpu.memory_space<semaphore_mem>>
        %dma_start3A_40 = arith.constant 0 : i32
        %dma_start3A_41 = arith.constant 0 : i32
        %dma_start3A_42 = tpu.memref_slice %arg10[%dma_start3A_40, %dma_start3A_41] : memref<92x128xi32, #tpu.memory_space<vmem>> -> memref<65x128xi32, #tpu.memory_space<vmem>>
        %dma_start3A_43 = arith.constant 0 : i32
        %dma_start3A_44 = arith.constant 0 : i32
        %dma_start3A_45 = tpu.memref_slice %arg6[%arg1, %dma_start3A_43, %dma_start3A_44] : memref<16x65x128xi32, #tpu.memory_space<hbm>> -> memref<1x65x128xi32, #tpu.memory_space<hbm>>
        %dma_start3A_46 = tpu.memref_squeeze %dma_start3A_45 : memref<1x65x128xi32, #tpu.memory_space<hbm>> -> memref<65x128xi32, #tpu.memory_space<hbm>>
        %dma_start3A_47 = arith.constant 0 : i32
        %dma_start3A_48 = arith.constant 0 : i32
        %dma_start3A_49 = tpu.memref_slice %arg10[%dma_start3A_47, %dma_start3A_48] : memref<92x128xi32, #tpu.memory_space<vmem>> -> memref<65x128xi32, #tpu.memory_space<vmem>>
        %dma_start3A_50 = arith.constant 0 : i32
        %dma_start3A_51 = arith.constant 0 : i32
        %dma_start3A_52 = tpu.memref_slice %arg6[%arg1, %dma_start3A_50, %dma_start3A_51] : memref<16x65x128xi32, #tpu.memory_space<hbm>> -> memref<1x65x128xi32, #tpu.memory_space<hbm>>
        %dma_start3A_53 = tpu.memref_squeeze %dma_start3A_52 : memref<1x65x128xi32, #tpu.memory_space<hbm>> -> memref<65x128xi32, #tpu.memory_space<hbm>>
        tpu.enqueue_dma source(%dma_start3A_53 : memref<65x128xi32, #tpu.memory_space<hbm>>) target(%dma_start3A_49 : memref<65x128xi32, #tpu.memory_space<vmem>>) target_semaphore(%run_scoped3A : memref<!tpu.dma_semaphore, #tpu.memory_space<semaphore_mem>>)
        %dma_wait3A_54 = arith.constant 0 : i32
        %dma_wait3A_55 = arith.constant 0 : i32
        %dma_wait3A_56 = tpu.memref_slice %arg10[%dma_wait3A_54, %dma_wait3A_55] : memref<92x128xi32, #tpu.memory_space<vmem>> -> memref<65x128xi32, #tpu.memory_space<vmem>>
        %dma_wait3A_57 = arith.constant 0 : i32
        %dma_wait3A_58 = arith.constant 0 : i32
        %dma_wait3A_59 = tpu.memref_slice %arg6[%arg1, %dma_wait3A_57, %dma_wait3A_58] : memref<16x65x128xi32, #tpu.memory_space<hbm>> -> memref<1x65x128xi32, #tpu.memory_space<hbm>>
        %dma_wait3A_60 = tpu.memref_squeeze %dma_wait3A_59 : memref<1x65x128xi32, #tpu.memory_space<hbm>> -> memref<65x128xi32, #tpu.memory_space<hbm>>
        %dma_wait3A_61 = arith.constant 0 : i32
        %dma_wait3A_62 = arith.constant 0 : i32
        %dma_wait3A_63 = tpu.memref_slice %arg10[%dma_wait3A_61, %dma_wait3A_62] : memref<92x128xi32, #tpu.memory_space<vmem>> -> memref<65x128xi32, #tpu.memory_space<vmem>>
        %dma_wait3A_64 = arith.constant 0 : i32
        %dma_wait3A_65 = arith.constant 0 : i32
        %dma_wait3A_66 = tpu.memref_slice %arg6[%arg1, %dma_wait3A_64, %dma_wait3A_65] : memref<16x65x128xi32, #tpu.memory_space<hbm>> -> memref<1x65x128xi32, #tpu.memory_space<hbm>>
        %dma_wait3A_67 = tpu.memref_squeeze %dma_wait3A_66 : memref<1x65x128xi32, #tpu.memory_space<hbm>> -> memref<65x128xi32, #tpu.memory_space<hbm>>
        tpu.wait_dma2 semaphore(%run_scoped3A : memref<!tpu.dma_semaphore, #tpu.memory_space<semaphore_mem>>) src(%dma_wait3A_67 : memref<65x128xi32, #tpu.memory_space<hbm>>) dst(%dma_wait3A_63 : memref<65x128xi32, #tpu.memory_space<vmem>>)
        tpu.yield
      }) : () -> ()
      %dma_start3A = arith.constant 0 : i32
      %dma_start3A_9 = arith.constant 0 : i32
      %dma_start3A_10 = tpu.memref_slice %arg9[%dma_start3A, %dma_start3A_9] : memref<92x128xi32, #tpu.memory_space<vmem>> -> memref<1x128xi32, #tpu.memory_space<vmem>>
      %dma_start3A_11 = tpu.memref_squeeze %dma_start3A_10 : memref<1x128xi32, #tpu.memory_space<vmem>> -> memref<128xi32, #tpu.memory_space<vmem>>
      %dma_start3A_12 = arith.constant 0 : i32
      %dma_start3A_13 = arith.constant 0 : i32
      %dma_start3A_14 = tpu.memref_slice %arg2[%dma_start3A_12, %dma_start3A_13] : memref<10000x128xf32, #tpu.memory_space<hbm>> -> memref<10000x128xf32, #tpu.memory_space<hbm>>
      tpu.enqueue_indirect_dma source(%dma_start3A_14 : memref<10000x128xf32, #tpu.memory_space<hbm>>) target(%arg11 : memref<128x128xf32, #tpu.memory_space<vmem>>) offsets(%dma_start3A_11 : memref<128xi32, #tpu.memory_space<vmem>>) semaphore(%arg13 : memref<!tpu.dma_semaphore, #tpu.memory_space<semaphore_mem>>)
      %scan3A = arith.constant 0 : i32
      %scan3A_15 = arith.constant 0 : i32
      %scan3A_16 = arith.constant 64 : i32
      %scan3A_17 = arith.addi %scan3A_15, %scan3A_16 : i32
      %scan3A_18 = arith.constant 1 : i32
      scf.for %scan3A_40 = %scan3A_15 to %scan3A_17 step %scan3A_18  : i32 {
        %dma_wait3A_41 = arith.constant 0 : i32
        %dma_wait3A_42 = tpu.memref_slice %arg9[%scan3A_40, %dma_wait3A_41] : memref<92x128xi32, #tpu.memory_space<vmem>> -> memref<1x128xi32, #tpu.memory_space<vmem>>
        %dma_wait3A_43 = tpu.memref_squeeze %dma_wait3A_42 : memref<1x128xi32, #tpu.memory_space<vmem>> -> memref<128xi32, #tpu.memory_space<vmem>>
        %dma_wait3A_44 = arith.constant 0 : i32
        %dma_wait3A_45 = arith.constant 0 : i32
        %dma_wait3A_46 = tpu.memref_slice %arg2[%dma_wait3A_44, %dma_wait3A_45] : memref<10000x128xf32, #tpu.memory_space<hbm>> -> memref<10000x128xf32, #tpu.memory_space<hbm>>
        tpu.wait_indirect_dma semaphore(%arg13 : memref<!tpu.dma_semaphore, #tpu.memory_space<semaphore_mem>>) src(%dma_wait3A_46 : memref<10000x128xf32, #tpu.memory_space<hbm>>) dst(%arg11 : memref<128x128xf32, #tpu.memory_space<vmem>>)
        %dma_start3A_47 = arith.constant 0 : i32
        %dma_start3A_48 = tpu.memref_slice %arg10[%scan3A_40, %dma_start3A_47] : memref<92x128xi32, #tpu.memory_space<vmem>> -> memref<1x128xi32, #tpu.memory_space<vmem>>
        %dma_start3A_49 = tpu.memref_squeeze %dma_start3A_48 : memref<1x128xi32, #tpu.memory_space<vmem>> -> memref<128xi32, #tpu.memory_space<vmem>>
        %dma_start3A_50 = arith.constant 0 : i32
        %dma_start3A_51 = arith.constant 0 : i32
        %dma_start3A_52 = tpu.memref_slice %arg12[%dma_start3A_50, %dma_start3A_51] : memref<10112x128xf32, #tpu.memory_space<vmem_shared>> -> memref<10112x128xf32, #tpu.memory_space<vmem_shared>>
        tpu.enqueue_indirect_dma source(%arg11 : memref<128x128xf32, #tpu.memory_space<vmem>>) target(%dma_start3A_52 : memref<10112x128xf32, #tpu.memory_space<vmem_shared>>) offsets(%dma_start3A_49 : memref<128xi32, #tpu.memory_space<vmem>>) semaphore(%arg14 : memref<!tpu.dma_semaphore, #tpu.memory_space<semaphore_mem>>) {add = true}
        %dma_wait3A_53 = arith.constant 0 : i32
        %dma_wait3A_54 = tpu.memref_slice %arg10[%scan3A_40, %dma_wait3A_53] : memref<92x128xi32, #tpu.memory_space<vmem>> -> memref<1x128xi32, #tpu.memory_space<vmem>>
        %dma_wait3A_55 = tpu.memref_squeeze %dma_wait3A_54 : memref<1x128xi32, #tpu.memory_space<vmem>> -> memref<128xi32, #tpu.memory_space<vmem>>
        %dma_wait3A_56 = arith.constant 0 : i32
        %dma_wait3A_57 = arith.constant 0 : i32
        %dma_wait3A_58 = tpu.memref_slice %arg12[%dma_wait3A_56, %dma_wait3A_57] : memref<10112x128xf32, #tpu.memory_space<vmem_shared>> -> memref<10112x128xf32, #tpu.memory_space<vmem_shared>>
        tpu.wait_indirect_dma semaphore(%arg14 : memref<!tpu.dma_semaphore, #tpu.memory_space<semaphore_mem>>) src(%arg11 : memref<128x128xf32, #tpu.memory_space<vmem>>) dst(%dma_wait3A_58 : memref<10112x128xf32, #tpu.memory_space<vmem_shared>>)
        %add3A = arith.constant 1 : i32
        %add3A_59 = arith.addi %scan3A_40, %add3A : i32
        %dma_start3A_60 = arith.constant 0 : i32
        %dma_start3A_61 = tpu.memref_slice %arg9[%add3A_59, %dma_start3A_60] : memref<92x128xi32, #tpu.memory_space<vmem>> -> memref<1x128xi32, #tpu.memory_space<vmem>>
        %dma_start3A_62 = tpu.memref_squeeze %dma_start3A_61 : memref<1x128xi32, #tpu.memory_space<vmem>> -> memref<128xi32, #tpu.memory_space<vmem>>
        %dma_start3A_63 = arith.constant 0 : i32
        %dma_start3A_64 = arith.constant 0 : i32
        %dma_start3A_65 = tpu.memref_slice %arg2[%dma_start3A_63, %dma_start3A_64] : memref<10000x128xf32, #tpu.memory_space<hbm>> -> memref<10000x128xf32, #tpu.memory_space<hbm>>
        tpu.enqueue_indirect_dma source(%dma_start3A_65 : memref<10000x128xf32, #tpu.memory_space<hbm>>) target(%arg11 : memref<128x128xf32, #tpu.memory_space<vmem>>) offsets(%dma_start3A_62 : memref<128xi32, #tpu.memory_space<vmem>>) semaphore(%arg13 : memref<!tpu.dma_semaphore, #tpu.memory_space<semaphore_mem>>)
      }
      %scan3A_19 = arith.constant 64 : i32
      %dma_wait3A = arith.constant 64 : i32
      %dma_wait3A_20 = arith.constant 0 : i32
      %dma_wait3A_21 = tpu.memref_slice %arg9[%dma_wait3A, %dma_wait3A_20] : memref<92x128xi32, #tpu.memory_space<vmem>> -> memref<1x128xi32, #tpu.memory_space<vmem>>
      %dma_wait3A_22 = tpu.memref_squeeze %dma_wait3A_21 : memref<1x128xi32, #tpu.memory_space<vmem>> -> memref<128xi32, #tpu.memory_space<vmem>>
      %dma_wait3A_23 = arith.constant 0 : i32
      %dma_wait3A_24 = arith.constant 0 : i32
      %dma_wait3A_25 = tpu.memref_slice %arg2[%dma_wait3A_23, %dma_wait3A_24] : memref<10000x128xf32, #tpu.memory_space<hbm>> -> memref<10000x128xf32, #tpu.memory_space<hbm>>
      tpu.wait_indirect_dma semaphore(%arg13 : memref<!tpu.dma_semaphore, #tpu.memory_space<semaphore_mem>>) src(%dma_wait3A_25 : memref<10000x128xf32, #tpu.memory_space<hbm>>) dst(%arg11 : memref<128x128xf32, #tpu.memory_space<vmem>>)
      %dma_start3A_26 = arith.constant 64 : i32
      %dma_start3A_27 = arith.constant 0 : i32
      %dma_start3A_28 = tpu.memref_slice %arg10[%dma_start3A_26, %dma_start3A_27] : memref<92x128xi32, #tpu.memory_space<vmem>> -> memref<1x128xi32, #tpu.memory_space<vmem>>
      %dma_start3A_29 = tpu.memref_squeeze %dma_start3A_28 : memref<1x128xi32, #tpu.memory_space<vmem>> -> memref<128xi32, #tpu.memory_space<vmem>>
      %dma_start3A_30 = arith.constant 0 : i32
      %dma_start3A_31 = arith.constant 0 : i32
      %dma_start3A_32 = tpu.memref_slice %arg12[%dma_start3A_30, %dma_start3A_31] : memref<10112x128xf32, #tpu.memory_space<vmem_shared>> -> memref<10112x128xf32, #tpu.memory_space<vmem_shared>>
      tpu.enqueue_indirect_dma source(%arg11 : memref<128x128xf32, #tpu.memory_space<vmem>>) target(%dma_start3A_32 : memref<10112x128xf32, #tpu.memory_space<vmem_shared>>) offsets(%dma_start3A_29 : memref<128xi32, #tpu.memory_space<vmem>>) semaphore(%arg14 : memref<!tpu.dma_semaphore, #tpu.memory_space<semaphore_mem>>) {add = true}
      %dma_wait3A_33 = arith.constant 64 : i32
      %dma_wait3A_34 = arith.constant 0 : i32
      %dma_wait3A_35 = tpu.memref_slice %arg10[%dma_wait3A_33, %dma_wait3A_34] : memref<92x128xi32, #tpu.memory_space<vmem>> -> memref<1x128xi32, #tpu.memory_space<vmem>>
      %dma_wait3A_36 = tpu.memref_squeeze %dma_wait3A_35 : memref<1x128xi32, #tpu.memory_space<vmem>> -> memref<128xi32, #tpu.memory_space<vmem>>
      %dma_wait3A_37 = arith.constant 0 : i32
      %dma_wait3A_38 = arith.constant 0 : i32
      %dma_wait3A_39 = tpu.memref_slice %arg12[%dma_wait3A_37, %dma_wait3A_38] : memref<10112x128xf32, #tpu.memory_space<vmem_shared>> -> memref<10112x128xf32, #tpu.memory_space<vmem_shared>>
      tpu.wait_indirect_dma semaphore(%arg14 : memref<!tpu.dma_semaphore, #tpu.memory_space<semaphore_mem>>) src(%arg11 : memref<128x128xf32, #tpu.memory_space<vmem>>) dst(%dma_wait3A_39 : memref<10112x128xf32, #tpu.memory_space<vmem_shared>>)
    } else {
    }
    %barrier3A_8 = arith.constant 0 : index
    tpu.barrier barrier_id(%barrier3A_8)
    "tpu.region"() ({
      %run_scoped3A = tpu.sem_alloc : memref<!tpu.dma_semaphore, #tpu.memory_space<semaphore_mem>>
      %dma_start3A = arith.constant 0 : i32
      %dma_start3A_9 = tpu.memref_slice %arg8[%arg0, %mul3A_0, %dma_start3A] : memref<2x10112x128xf32, #tpu.memory_space<hbm>> -> memref<1x632x128xf32, #tpu.memory_space<hbm>>
      %dma_start3A_10 = tpu.memref_squeeze %dma_start3A_9 : memref<1x632x128xf32, #tpu.memory_space<hbm>> -> memref<632x128xf32, #tpu.memory_space<hbm>>
      %dma_start3A_11 = arith.constant 0 : i32
      %dma_start3A_12 = tpu.memref_slice %arg12[%mul3A_0, %dma_start3A_11] : memref<10112x128xf32, #tpu.memory_space<vmem_shared>> -> memref<632x128xf32, #tpu.memory_space<vmem_shared>>
      tpu.enqueue_dma source(%dma_start3A_12 : memref<632x128xf32, #tpu.memory_space<vmem_shared>>) target(%dma_start3A_10 : memref<632x128xf32, #tpu.memory_space<hbm>>) target_semaphore(%run_scoped3A : memref<!tpu.dma_semaphore, #tpu.memory_space<semaphore_mem>>)
      %dma_wait3A = arith.constant 0 : i32
      %dma_wait3A_13 = tpu.memref_slice %arg8[%arg0, %mul3A_0, %dma_wait3A] : memref<2x10112x128xf32, #tpu.memory_space<hbm>> -> memref<1x632x128xf32, #tpu.memory_space<hbm>>
      %dma_wait3A_14 = tpu.memref_squeeze %dma_wait3A_13 : memref<1x632x128xf32, #tpu.memory_space<hbm>> -> memref<632x128xf32, #tpu.memory_space<hbm>>
      %dma_wait3A_15 = arith.constant 0 : i32
      %dma_wait3A_16 = tpu.memref_slice %arg12[%mul3A_0, %dma_wait3A_15] : memref<10112x128xf32, #tpu.memory_space<vmem_shared>> -> memref<632x128xf32, #tpu.memory_space<vmem_shared>>
      tpu.wait_dma2 semaphore(%run_scoped3A : memref<!tpu.dma_semaphore, #tpu.memory_space<semaphore_mem>>) src(%dma_wait3A_16 : memref<632x128xf32, #tpu.memory_space<vmem_shared>>) dst(%dma_wait3A_14 : memref<632x128xf32, #tpu.memory_space<hbm>>)
      tpu.yield
    }) : () -> ()
    return
  }
}

module attributes {stable_mosaic.version = 14 : i64} {
  func.func @body(%arg0: memref<10000x128xf32, #tpu.memory_space<vmem>>, %arg1: memref<2x10112x128xf32, #tpu.memory_space<vmem>>, %arg2: memref<10000x1xi32, #tpu.memory_space<vmem>>, %arg3: memref<128x128xf32, #tpu.memory_space<vmem>>, %arg4: memref<1x128xf32, #tpu.memory_space<vmem>>, %arg5: memref<128x128xf32, #tpu.memory_space<vmem>>, %arg6: memref<1x128xf32, #tpu.memory_space<vmem>>, %arg7: memref<1x128xf32, #tpu.memory_space<vmem>>, %arg8: memref<1x128xf32, #tpu.memory_space<vmem>>, %arg9: memref<10000x128xf32, #tpu.memory_space<vmem>>, %arg10: memref<128x128xf32, #tpu.memory_space<vmem>>) attributes {dimension_semantics = [], scalar_prefetch = 0 : i64, scratch_operands = 0 : i64, tpu.core_type = #tpu.core_type<tc>} {
    %get3A = arith.constant 0 : index
    %get3A_0 = arith.constant 0 : index
    %get3A_1 = vector.load %arg0[%get3A, %get3A_0] : memref<10000x128xf32, #tpu.memory_space<vmem>>, vector<10000x128xf32>
    %get3A_2 = arith.constant 0 : index
    %get3A_3 = arith.constant 0 : index
    %get3A_4 = arith.constant 0 : index
    %get3A_5 = vector.load %arg1[%get3A_2, %get3A_3, %get3A_4] : memref<2x10112x128xf32, #tpu.memory_space<vmem>>, vector<1x10000x128xf32>
    %get3A_6 = vector.shape_cast %get3A_5 : vector<1x10000x128xf32> to vector<10000x128xf32>
    %add3A = arith.addf %get3A_1, %get3A_6 : vector<10000x128xf32>
    %get3A_7 = arith.constant 1 : index
    %get3A_8 = arith.constant 0 : index
    %get3A_9 = arith.constant 0 : index
    %get3A_10 = vector.load %arg1[%get3A_7, %get3A_8, %get3A_9] : memref<2x10112x128xf32, #tpu.memory_space<vmem>>, vector<1x10000x128xf32>
    %get3A_11 = vector.shape_cast %get3A_10 : vector<1x10000x128xf32> to vector<10000x128xf32>
    %add3A_12 = arith.addf %add3A, %get3A_11 : vector<10000x128xf32>
    %get3A_13 = arith.constant 0 : index
    %get3A_14 = arith.constant 0 : index
    %get3A_15 = vector.load %arg3[%get3A_13, %get3A_14] : memref<128x128xf32, #tpu.memory_space<vmem>>, vector<128x128xf32>
    %dot_general3A = arith.constant dense<0.000000e+00> : vector<10000x128xf32>
    %dot_general3A_16 = tpu.matmul %add3A_12, %get3A_15, %dot_general3A {dimension_numbers = #tpu.dot_dimension_numbers<[1], [0], [0], [1], [0, 0, 1, 1], [], []>, transpose_lhs_hint = false} : vector<10000x128xf32>, vector<128x128xf32>, vector<10000x128xf32> -> vector<10000x128xf32>
    %get3A_17 = arith.constant 0 : index
    %get3A_18 = arith.constant 0 : index
    %get3A_19 = vector.load %arg4[%get3A_17, %get3A_18] : memref<1x128xf32, #tpu.memory_space<vmem>>, vector<1x128xf32>
    %add3A_20 = vector.broadcast %get3A_19 : vector<1x128xf32> to vector<10000x128xf32>
    %add3A_21 = arith.addf %dot_general3A_16, %add3A_20 : vector<10000x128xf32>
    %max3A = arith.constant 0.000000e+00 : f32
    %max3A_22 = vector.broadcast %max3A : f32 to vector<10000x128xf32>
    %max3A_23 = arith.maximumf %add3A_21, %max3A_22 : vector<10000x128xf32>
    %get3A_24 = arith.constant 0 : index
    %get3A_25 = arith.constant 0 : index
    %get3A_26 = vector.load %arg5[%get3A_24, %get3A_25] : memref<128x128xf32, #tpu.memory_space<vmem>>, vector<128x128xf32>
    %dot_general3A_27 = arith.constant dense<0.000000e+00> : vector<10000x128xf32>
    %dot_general3A_28 = tpu.matmul %max3A_23, %get3A_26, %dot_general3A_27 {dimension_numbers = #tpu.dot_dimension_numbers<[1], [0], [0], [1], [0, 0, 1, 1], [], []>, transpose_lhs_hint = false} : vector<10000x128xf32>, vector<128x128xf32>, vector<10000x128xf32> -> vector<10000x128xf32>
    %get3A_29 = arith.constant 0 : index
    %get3A_30 = arith.constant 0 : index
    %get3A_31 = vector.load %arg6[%get3A_29, %get3A_30] : memref<1x128xf32, #tpu.memory_space<vmem>>, vector<1x128xf32>
    %add3A_32 = vector.broadcast %get3A_31 : vector<1x128xf32> to vector<10000x128xf32>
    %add3A_33 = arith.addf %dot_general3A_28, %add3A_32 : vector<10000x128xf32>
    %max3A_34 = arith.constant 0.000000e+00 : f32
    %max3A_35 = vector.broadcast %max3A_34 : f32 to vector<10000x128xf32>
    %max3A_36 = arith.maximumf %add3A_33, %max3A_35 : vector<10000x128xf32>
    %reduce_sum3A = arith.constant dense<0.000000e+00> : vector<128xf32>
    %reduce_sum3A_37 = vector.multi_reduction <add>, %max3A_36, %reduce_sum3A [0] : vector<10000x128xf32> to vector<128xf32>
    %broadcast_in_dim3A = vector.shape_cast %reduce_sum3A_37 : vector<128xf32> to vector<1x128xf32>
    %div3A = arith.constant 1.000000e+04 : f32
    %div3A_38 = vector.broadcast %div3A : f32 to vector<1x128xf32>
    %div3A_39 = arith.divf %broadcast_in_dim3A, %div3A_38 : vector<1x128xf32>
    %sub3A = vector.broadcast %div3A_39 : vector<1x128xf32> to vector<10000x128xf32>
    %sub3A_40 = arith.subf %max3A_36, %sub3A : vector<10000x128xf32>
    %mul3A = arith.mulf %sub3A_40, %sub3A_40 : vector<10000x128xf32>
    %reduce_sum3A_41 = arith.constant dense<0.000000e+00> : vector<128xf32>
    %reduce_sum3A_42 = vector.multi_reduction <add>, %mul3A, %reduce_sum3A_41 [0] : vector<10000x128xf32> to vector<128xf32>
    %broadcast_in_dim3A_43 = vector.shape_cast %reduce_sum3A_42 : vector<128xf32> to vector<1x128xf32>
    %div3A_44 = arith.constant 1.000000e+04 : f32
    %div3A_45 = vector.broadcast %div3A_44 : f32 to vector<1x128xf32>
    %div3A_46 = arith.divf %broadcast_in_dim3A_43, %div3A_45 : vector<1x128xf32>
    %add3A_47 = arith.constant 9.99999974E-6 : f32
    %add3A_48 = vector.broadcast %add3A_47 : f32 to vector<1x128xf32>
    %add3A_49 = arith.addf %div3A_46, %add3A_48 : vector<1x128xf32>
    %rsqrt3A = math.rsqrt %add3A_49 : vector<1x128xf32>
    %mul3A_50 = vector.broadcast %rsqrt3A : vector<1x128xf32> to vector<10000x128xf32>
    %mul3A_51 = arith.mulf %sub3A_40, %mul3A_50 : vector<10000x128xf32>
    %get3A_52 = arith.constant 0 : index
    %get3A_53 = arith.constant 0 : index
    %get3A_54 = vector.load %arg7[%get3A_52, %get3A_53] : memref<1x128xf32, #tpu.memory_space<vmem>>, vector<1x128xf32>
    %mul3A_55 = vector.broadcast %get3A_54 : vector<1x128xf32> to vector<10000x128xf32>
    %mul3A_56 = arith.mulf %mul3A_51, %mul3A_55 : vector<10000x128xf32>
    %get3A_57 = arith.constant 0 : index
    %get3A_58 = arith.constant 0 : index
    %get3A_59 = vector.load %arg8[%get3A_57, %get3A_58] : memref<1x128xf32, #tpu.memory_space<vmem>>, vector<1x128xf32>
    %add3A_60 = vector.broadcast %get3A_59 : vector<1x128xf32> to vector<10000x128xf32>
    %add3A_61 = arith.addf %mul3A_56, %add3A_60 : vector<10000x128xf32>
    %swap3A = arith.constant 0 : index
    %swap3A_62 = arith.constant 0 : index
    %swap3A_63 = vector.load %arg9[%swap3A, %swap3A_62] : memref<10000x128xf32, #tpu.memory_space<vmem>>, vector<10000x128xf32>
    tpu.vector_store %arg9[%swap3A, %swap3A_62], %add3A_61 {strides = array<i32>} : memref<10000x128xf32, #tpu.memory_space<vmem>>, vector<10000x128xf32>,
    %get3A_64 = arith.constant 0 : index
    %get3A_65 = arith.constant 0 : index
    %get3A_66 = vector.load %arg2[%get3A_64, %get3A_65] : memref<10000x1xi32, #tpu.memory_space<vmem>>, vector<10000x1xi32>
    %iota3A = tpu.iota {dimensions = array<i32: 1>} : vector<10000x128xi32>
    %eq3A = vector.broadcast %get3A_66 : vector<10000x1xi32> to vector<10000x128xi32>
    %eq3A_67 = arith.cmpi eq, %eq3A, %iota3A : vector<10000x128xi32>
    %convert_element_type3A = arith.extui %eq3A_67 : vector<10000x128xi1> to vector<10000x128xi32>
    %convert_element_type3A_68 = arith.sitofp %convert_element_type3A : vector<10000x128xi32> to vector<10000x128xf32>
    %dot_general3A_69 = arith.constant dense<0.000000e+00> : vector<128x128xf32>
    %dot_general3A_70 = tpu.matmul %convert_element_type3A_68, %add3A_61, %dot_general3A_69 {dimension_numbers = #tpu.dot_dimension_numbers<[0], [0], [1], [1], [0, 1, 1, 1], [], []>, transpose_lhs_hint = false} : vector<10000x128xf32>, vector<10000x128xf32>, vector<128x128xf32> -> vector<128x128xf32>
    %swap3A_71 = arith.constant 0 : index
    %swap3A_72 = arith.constant 0 : index
    %swap3A_73 = vector.load %arg10[%swap3A_71, %swap3A_72] : memref<128x128xf32, #tpu.memory_space<vmem>>, vector<128x128xf32>
    tpu.vector_store %arg10[%swap3A_71, %swap3A_72], %dot_general3A_70 {strides = array<i32>} : memref<128x128xf32, #tpu.memory_space<vmem>>, vector<128x128xf32>,
    return
  }
}

</mosaic_0001>

<sc_bundles>
// kernel: kernel.11.cloned.1.call-start
scs
__scs_entry_jumppad:
0x0: {  	(pc) =	sbr.rel $0x88, $3  }
0x1: {  	(tag) =	ssettag $0x0;
	lr =	simm.s32 $0x1  }
0x2: {  	[smem:$0x3F8C] =	sst lr;
	_ =	strace $0xD0000000  }
0x3: {  	_ = 	snop  }
0x4: {  	_ = 	snop  }
0x5: {  	_ = 	snop  }
0x6: {  	_ = 	snop  }
0x7: {  	_ = 	snop  }
__scs_overlays_trampoline_lowered:
0x8: {  	[smem:$0x3F9B] =	sst s0  }
0x9: {  	[smem:$0x3F9C] =	sst s1  }
0xa: {  	[smem:$0x3F9D] =	sst s2  }
0xb: {  	[smem:$0x3F9E] =	sst s3  }
0xc: {  	[smem:$0x3F9F] =	sst s4  }
0xd: {  	[smem:$0x3FA0] =	sst s5  }
0xe: {  	[smem:$0x3FA1] =	sst s6  }
0xf: {  	[smem:$0x3FA2] =	sst s7  }
0x10: {  	[smem:$0x3FA3] =	sst s8  }
0x11: {  	[smem:$0x3FA4] =	sst s9;
	s0 =	simm.s32 @!p0 $0x0  }
0x12: {  	s1 =	sld [smem:$0x3F8A];
	s0 =	simm.s32 @p0 $0x1  }
0x13: {  	[smem:$0x3FA5] =	sst s0;
	s0 =	simm.s32 @!p1 $0x0  }
0x14: {  	s2 =	sld [smem:$0x3F89];
	s0 =	simm.s32 @p1 $0x1  }
0x15: {  	[smem:$0x3FA6] =	sst s0;
	s0 =	simm.s32 @!p2 $0x0  }
0x16: {  	s3 =	sld [smem:$0x3FDB];
	s0 =	simm.s32 @p2 $0x1  }
0x17: {  	s4 =	simm.s32 $0x1BF5;
	[smem:$0x3FA8] =	sst s0  }
0x18: {  	s0 =	sld [smem:$0x3F8B];
	_ =	swait.ge [sflag:s4], $0x0  }
0x19: {  	s7 =	sld [smem:$0x3F8C]  }
0x1a: {  	s8 =	sadd.s32 $0xFFFFE003, lr  }
0x1b: {  	s9 =	sadd.s32 $0xFFFFFEF7, lr;
	s5 =	simm.s32 $0xFFFFFFFF;
	p2 =	slt.u32 s8, $0xFFFFF086  }
0x1c: {  	p1 =	slt.u32 s9, $0xF7A;
	s5 =	simm.s32 @!p2 $0x0  }
0x1d: {  	s5 =	simm.s32 @p1 $0x1;
	p0 =	seq.s32 s7, s2  }
0x1e: {  	s7 =	smul.u32 @!p0 $0xF7A, s2;
	p2 =	seq.s32 @!p0 s5, $0x0  }
0x1f: {  	s9 =	smul.u32 $0xF7A, s1;
	s8 =	simm.s32 @!p0 $0x1BF5;
	p2 =	por !p2, p0  }
0x20: {  	[sflag:s8] =	ssyncset.s32 @!p0 $0xFFFFF086;
	s6 =	sadd.s32 @!p0 s3, s7;
	s7 =	simm.s32 @!p0 $0x108  }
0x21: {  	s3 =	sadd.s32 s3, s9;
	s6 =	sadd.s32 @!p0 $0x88, s6;
	s7 =	simm.s32 @p2 $0x1082  }
0x22: {  	[simem:s7], [sflag:s8] =	dma.local @!p0 [hbm:s6], $0xF7A  }
0x23: {  	s9 =	sor.u32 $0xD0000000, s2;
	s6 =	simm.s32 $0x108;
	_ =	swait.ge @!p0 [sflag:s8], $0x0  }
0x24: {  	s3 =	sadd.s32 $0x88, s3;
	s6 =	simm.s32 @!p1 $0x1082;
	[sflag:s4] =	ssyncset.s32 $0xFFFFF086  }
0x25: {  	[simem:s6], [sflag:s4] =	dma.local [hbm:s3], $0xF7A  }
0x26: {  	[smem:$0x3F8C] =	sst s1;
	(tag) =	ssettag s2;
	_ =	strace s9  }
0x27: {  	s1 =	sld [smem:$0x3F9C]  }
0x28: {  	s2 =	sld [smem:$0x3F9D]  }
0x29: {  	s4 =	sld [smem:$0x3F9F]  }
0x2a: {  	p0 =	seq.s32 s5, $0x0;
	s5 =	sld [smem:$0x3FA0]  }
0x2b: {  	s6 =	sld [smem:$0x3FA1]  }
0x2c: {  	s7 =	sld [smem:$0x3FA2]  }
0x2d: {  	s3 =	simm.s32 $0x108;
	s8 =	sld [smem:$0x3FA3]  }
0x2e: {  	s3 =	simm.s32 @!p0 $0x1082;
	s9 =	sld [smem:$0x3FA4]  }
0x2f: {  	lr =	sadd.s32 s0, s3;
	s0 =	sld [smem:$0x3F9B]  }
0x30: {  	s3 =	sld [smem:$0x3F9E]  }
0x31: {  	[smem:$0x3FA7] =	sst s10  }
0x32: {  	s10 =	sld [smem:$0x3FA5];
	_ =	sdelay $0x3  }
0x33: {  	p0 =	seq.s32 s10, $0x1;
	s10 =	sld [smem:$0x3FA7];
	_ =	sdelay $0x3  }
0x34: {  	[smem:$0x3FA7] =	sst s10  }
0x35: {  	s10 =	sld [smem:$0x3FA6];
	_ =	sdelay $0x3  }
0x36: {  	p1 =	seq.s32 s10, $0x1;
	s10 =	sld [smem:$0x3FA7];
	_ =	sdelay $0x3  }
0x37: {  	[smem:$0x3FA7] =	sst s10  }
0x38: {  	s10 =	sld [smem:$0x3FA8]  }
0x39: {  	_ = 	snop;
	(pc) =	sbr.ind lr, $3  }
0x3a: {  	_ = 	snop  }
0x3b: {  	_ = 	snop  }
0x3c: {  	p2 =	seq.s32 s10, $0x1;
	s10 =	sld [smem:$0x3FA7]  }
0x3d: {  	_ =	shalt  }
0x3e: {  	_ =	shalt  }
0x3f: {  	_ =	shalt  }
0x40: {  	_ =	shalt  }
0x41: {  	_ =	shalt  }
0x42: {  	_ =	shalt  }
0x43: {  	_ =	shalt  }
0x44: {  	_ =	shalt  }
0x45: {  	_ =	shalt  }
0x46: {  	_ =	shalt  }
0x47: {  	_ =	shalt  }
0x48: {  	_ =	shalt  }
0x49: {  	_ =	shalt  }
0x4a: {  	_ =	shalt  }
0x4b: {  	_ =	shalt  }
0x4c: {  	_ =	shalt  }
0x4d: {  	_ =	shalt  }
0x4e: {  	_ =	shalt  }
0x4f: {  	_ =	shalt  }
0x50: {  	_ =	shalt  }
0x51: {  	_ =	shalt  }
0x52: {  	_ =	shalt  }
0x53: {  	_ =	shalt  }
0x54: {  	_ =	shalt  }
0x55: {  	_ =	shalt  }
0x56: {  	_ =	shalt  }
0x57: {  	_ =	shalt  }
0x58: {  	_ =	shalt  }
0x59: {  	_ =	shalt  }
0x5a: {  	_ =	shalt  }
0x5b: {  	_ =	shalt  }
0x5c: {  	_ =	shalt  }
0x5d: {  	_ =	shalt  }
0x5e: {  	_ =	shalt  }
0x5f: {  	_ =	shalt  }
0x60: {  	_ =	shalt  }
0x61: {  	_ =	shalt  }
0x62: {  	_ =	shalt  }
0x63: {  	_ =	shalt  }
0x64: {  	_ =	shalt  }
0x65: {  	_ =	shalt  }
0x66: {  	_ =	shalt  }
0x67: {  	_ =	shalt  }
0x68: {  	_ =	shalt  }
0x69: {  	_ =	shalt  }
0x6a: {  	_ =	shalt  }
0x6b: {  	_ =	shalt  }
0x6c: {  	_ =	shalt  }
0x6d: {  	_ =	shalt  }
0x6e: {  	_ =	shalt  }
0x6f: {  	_ =	shalt  }
0x70: {  	_ =	shalt  }
0x71: {  	_ =	shalt  }
0x72: {  	_ =	shalt  }
0x73: {  	_ =	shalt  }
0x74: {  	_ =	shalt  }
0x75: {  	_ =	shalt  }
0x76: {  	_ =	shalt  }
0x77: {  	_ =	shalt  }
0x78: {  	_ =	shalt  }
0x79: {  	_ =	shalt  }
0x7a: {  	_ =	shalt  }
0x7b: {  	_ =	shalt  }
0x7c: {  	_ =	shalt  }
0x7d: {  	_ =	shalt  }
0x7e: {  	_ =	shalt  }
0x7f: {  	_ =	shalt  }
0x80: {  	_ =	shalt  }
0x81: {  	_ =	shalt  }
0x82: {  	_ =	shalt  }
0x83: {  	_ =	shalt  }
0x84: {  	_ =	shalt  }
0x85: {  	_ =	shalt  }
0x86: {  	_ =	shalt  }
0x87: {  	_ =	shalt  }
.Lfunc_end0:
.L_simem_size_0:
called_computation.1_lowered:
.L_overlay_start_0:
0x88: {  	s2 =	sld [smem:$0x3FD9]  }
0x89: {  	s3 =	sld [smem:$0x3FFE];
	_ =	sdelay $0x1  }
0x8a: {  	s1 =	srdreg.scid  }
0x8b: {  	s0 =	sand.u32 $0x1, s1  }
0x8c: {  	s14 =	sshll.u32 s0, $0xA;
	s2 =	sadd.s32 s3, s2  }
0x8d: {  	s2 =	sadd.s32 s2, s14  }
0x8e: {  	[smem:$0x3FB3] =	sst s2  }
0x8f: {  	_ = 	snop  }
0x90: {  	s2 =	sld [smem:$0x3FD0];
	_ =	sdelay $0x2  }
0x91: {  	s15 =	simm.s32 $0xA;
	s4 =	simm.s32 $0x10  }
0x92: {  	[smem:s4], [sflag:s15] =	dma.local [hbm:s2], $0x1  }
0x93: {  	_ =	swait.eq [sflag:s15], $0x1  }
0x94: {  	[sflag:s15] =	ssyncset.done $0x0  }
0x95: {  	[sflag:s15] =	ssyncadd.s32 $0xFFFFFFFF  }
0x96: {  	s16 =	sld [smem:$0x10];
	(tm) =	ssettm $0x1  }
0x97: {  	s17 =	sld [smem:$0x3FFB];
	_ =	sdelay $0x3  }
0x98: {  	_ =	strace s17  }
0x99: {  	s3 =	sld [smem:$0x3FFC];
	_ =	sdelay $0x3  }
0x9a: {  	_ =	strace s3  }
0x9b: {  	s3 =	sld [smem:$0x3FFD];
	_ =	sdelay $0x3  }
0x9c: {  	_ =	strace s3  }
0x9d: {  	_ =	strace $0x8FFFFFFF  }
0x9e: {  	s18 =	sld [smem:$0x3FDB];
	_ =	sdelay $0x1  }
0x9f: {  	s19 =	simm.s32 $_scs_section_size  }
0xa0: {  	s5 =	simm.s32 $_size__tile_overlayer_lowered;
	s6 =	simm.s32 $_tile_overlayer_lowered  }
0xa1: {  	s22 =	simm.s32 $0x1BFF;
	s21 =	sshll.u32 s6, $0x1;
	s3 =	sadd.s32 s19, s18  }
0xa2: {  	s7 =	simm.s32 $0x0;
	s20 =	sshll.u32 s5, $0x1;
	s5 =	sadd.s32 s21, s3  }
0xa3: {  	[timem:s7], [sflag:s22] =	dma.local [hbm:s5], s20  }
0xa4: {  	_ =	swait.ge [sflag:s22], s20  }
0xa5: {  	s4 =	ssub.s32 $0x0, s20;
	[sflag:s22] =	ssyncset.done $0x0  }
0xa6: {  	[sflag:s22] =	ssyncadd.s32 s4;
	_ =	sdelay $0x1  }
0xa7: {  	s23 =	simm.s32 $0x1B8B  }
0xa8: {  	_ =	swait.ge [sflag:s23], $0x1  }
0xa9: {  	[sflag:s23] =	ssyncset.done $0x0  }
0xaa: {  	s25 =	simm.s32 $0x1B8E;
	s24 =	sld [smem:$0x3FFE];
	[sflag:s23] =	ssyncadd.s32 $0xFFFFFFFF  }
0xab: {  	s26 =	simm.s32 $execute0_lowered;
	[smem:$0x3FD2] =	sst s25  }
0xac: {  	s5 =	sshll.u32 s26, $0x1;
	_ =	strace $0x80000049;
	[dreg:$0x1] =	wrdreg $0xFFFFFFFF  }
0xad: {  	s28 =	simm.s32 $_size_execute0_lowered;
	s3 =	sadd.s32 s3, s5;
	[dreg:$0x0] =	wrdreg $0x0  }
0xae: {  	s5 =	sshll.u32 s28, $0x1;
	[dreg:$0x2] =	wrdreg s3  }
0xaf: {  	[dreg:$0x3] =	wrdreg s5  }
0xb0: {  	[dreg:$0x4] =	wrdreg $0xC0  }
0xb1: {  	_ =	task [dreg:s7], $0x5FFFF  }
0xb2: {  	[dreg:$0x1] =	wrdreg $0xFFFFFFFF  }
0xb3: {  	[dreg:$0x0] =	wrdreg $0x60  }
0xb4: {  	[dreg:$0x2] =	wrdreg s24  }
0xb5: {  	[dreg:$0x3] =	wrdreg s16  }
0xb6: {  	[dreg:$0x4] =	wrdreg $0xA0000  }
0xb7: {  	[dreg:$0x5] =	wrdreg $0x9  }
0xb8: {  	_ =	task.clear_ibuf [dreg:s7], $0x6FFFF;
	_ =	strace $0x90000049  }
0xb9: {  	s29 =	simm.s32 $0x9;
	_ =	strace $0x8000004B  }
0xba: {  	_ =	swait.ge [sflag:s29], $0x1  }
0xbb: {  	[sflag:s29] =	ssyncadd.s32 $0xFFFFFFFF  }
0xbc: {  	_ =	strace $0x9000004B  }
0xbd: {  	_ =	sfence  }
0xbe: {  	s30 =	sld [smem:$0x0];
	_ =	sdelay $0x2  }
0xbf: {  	s31 =	sshll.u32 s1, $0xD;
	s1 =	sshrl.u32 s1, $0x2  }
0xc0: {  	s3 =	sand.u32 $0x4000, s31;
	s1 =	sadd.s32 s1, s30  }
0xc1: {  	s0 =	sor.u32 s3, s0;
	s1 =	sshll.u32 s1, $0x11  }
0xc2: {  	s0 =	sor.u32 s1, s0  }
0xc3: {  	s0 =	sadd.s32 $0x8F2B, s0  }
0xc4: {  	[sflag:s0] =	ssyncadd.remote.s32 $0x1  }
0xc5: {  	_ =	sfence.sel $0xFFFF  }
0xc6: {  	[dreg:$0x0] =	wrdreg $0xFFFFFFFF;
	(pc) =	sbr.abs _section_cstart, $3  }
0xc7: {  	[dreg:$0x1] =	wrdreg $0xFFFFFFFF  }
0xc8: {  	_ =	task.clear_ibuf [dreg:s7], $0x2FFFF;
	_ =	strace $0x9FFFFFFF  }
0xc9: {  	(tm) =	ssettm $0x7FFFFFFF  }
tec
execute0_lowered:
.L_overlay_start_1:
0x0: {  	(tag) =	ssettag $0x1  }
0x1: {  	s5 =	rddreg [dreg:$0x0]  }
0x2: {  	s11 =	rddreg [dreg:$0x1]  }
0x3: {  	s2 =	rddreg [dreg:$0x2]  }
0x4: {  	s0 =	rddreg [dreg:$0x3];
	s3 =	simm.s32 $0x0;
	s1 =	stileid.u32  }
0x5: {  	s8 =	srdreg.scid;
	s16 =	simm.s32 $0x80;
	s6 =	smul.u32 $0x600, s1  }
0x6: {  	s17 =	simm.s32 $0x6000;
	s18 =	simm.s32 $0x1;
	s7 =	smul.u32 $0x480, s1  }
0x7: {  	s19 =	simm.s32 $0x2;
	[smem:$0x7FF] =	sst s3;
	s9 =	smul.u32 $0x13C00, s1  }
0x8: {  	s4 =	sadd.s32 $0x40000, s5;
	s8 =	sand.u32 $0x1, s8;
	s12 =	smul.u32 $0x4F000, s1  }
0x9: {  	s30 =	sshll.u32 s1, $0x6;
	_ =	strace $0x8000004A;
	s26 =	ssub.s32 $0x2, s8  }
0xa: {  	s31 =	smul.u32 $0x13C000, s8;
	p0 =	seq.s32 s8, $0x1;
	s10 =	sadd.s32 s6, s5  }
0xb: {  	s13 =	sadd.s32 s7, s5;
	s28 =	sshrl.u32 s9, $0x3;
	s14 =	sshrl.u32 s26, $0x1  }
0xc: {  	s29 =	sshrl.u32 s12, $0x2;
	s6 =	sor.u32 $0x1C03, s30;
	s5 =	sadd.s32 s28, s5  }
.Ltmp0:
0xd: {  	s14 =	ssub.s32 s26, s14;
	s15 =	sadd.s32 s29, s2;
	(pc) =	sbr.rel .LBB2_1-.Ltmp0, $4  }
0xe: {  	s7 =	sadd.s32 $0x9800, s10;
	s8 =	sadd.s32 $0x3800, s10;
	s12 =	sadd.s32 s9, s31  }
0xf: {  	s9 =	sadd.s32 $0xF800, s13;
	s10 =	sadd.s32 $0x14000, s13;
	s5 =	sadd.s32 $0x18800, s5  }
0x10: {  	s12 =	sshrl.u32 s12, $0x3;
	s13 =	sshrl.u32 s15, $0x3;
	s15 =	simm.s32 $0x3000  }
0x11: {  	s11 =	sadd.s32 s11, s12;
	s12 =	smax.u32 s14, $0x1;
	s14 =	simm.s32 $0x3  }
.LBB2_4:
0x12: {  	[tilespmem:s17], [sflag:$0x1] =	stream.indirect.gather [hbm4b:s4+s16], $0x80, s21, s16, $0xb8;
	[tilespmem:$0x1DC00] =	vst v63  }
0x13: {  	s20 =	simm.s32 $0x5D80  }
.LBB2_8:
0x14: {  	_ =	swait.ge [sflag:s18], $0x4000  }
0x15: {  	[sflag:s18] =	ssyncset.done $0x0  }
0x16: {  	[sflag:s18] =	ssyncadd.s32 $0xFFFFC000  }
0x17: {  	[spmem:s2] =	stream.indirect.scatter.add.f32 [tilespmem:s17], [sflag:$0x2], $0x80, s20, s16, $0xb8;
	[tilespmem:$0x1DC00] =	vst v63  }
0x18: {  	_ =	swait.ge [sflag:s19], $0x4000  }
0x19: {  	s3 =	sadd.s32 $0x1, s3;
	[sflag:s19] =	ssyncset.done $0x0  }
0x1a: {  	p1 =	sne.s32 s3, s12;
	[sflag:s19] =	ssyncadd.s32 $0xFFFFC000  }
.Ltmp1:
0x1b: {  	[bflag:$0x0] =	sbarrier.arrive $0xFFFF;
	(pc) =	sbr.rel @!p1 .LBB2_9-.Ltmp1, $4  }
0x1c: {  	[hbm:s11], [sflag:s6] =	dma.local [spmem:s13], $0x2780  }
0x1d: {  	_ =	swait.ge [sflag:s14], $0x2780  }
0x1e: {  	[sflag:s14] =	ssyncset.done $0x0  }
0x1f: {  	[sflag:s14] =	ssyncadd.s32 $0xFFFFD880  }
.LBB2_1:
0x20: {  	[spmem:s13], [sflag:s6] =	dma.local [hbm:s5], $0x2780  }
.Ltmp2:
0x21: {  	_ =	swait.ge [sflag:s14], $0x2780;
	(pc) =	sbr.rel @!p0 .LBB2_2-.Ltmp2, $4  }
0x22: {  	[sflag:s14] =	ssyncset.done $0x0  }
0x23: {  	[sflag:s14] =	ssyncadd.s32 $0xFFFFD880  }
0x24: {  	[bflag:$0x0] =	sbarrier.arrive $0xFFFF  }
0x25: {  	s20 =	simm.s32 $0x0  }
0x26: {  	[tilespmem:s20], [sflag:$0x3] =	stream.linear.gather [hbm4b:s9+s20], $0x2080, $0x38;
	[tilespmem:$0x1DC00] =	vst v63  }
0x27: {  	_ =	swait.ge [sflag:s14], $0x2080  }
0x28: {  	[sflag:s14] =	ssyncset.done $0x0  }
0x29: {  	[sflag:s14] =	ssyncadd.s32 $0xFFFFDF80  }
0x2a: {  	[tilespmem:s15], [sflag:$0x3] =	stream.linear.gather [hbm4b:s10+s20], $0x2080, $0x38;
	[tilespmem:$0x1DC00] =	vst v63  }
0x2b: {  	_ =	swait.ge [sflag:s14], $0x2080  }
0x2c: {  	[sflag:s14] =	ssyncset.done $0x0  }
0x2d: {  	[sflag:s14] =	ssyncadd.s32 $0xFFFFDF80  }
0x2e: {  	[tilespmem:s17], [sflag:$0x1] =	stream.indirect.gather [hbm4b:s4+s16], $0x80, s20, s16, $0xb8;
	[tilespmem:$0x1DC00] =	vst v63  }
0x2f: {  	_ =	swait.ge [sflag:s18], $0x4000  }
0x30: {  	[sflag:s18] =	ssyncset.done $0x0  }
0x31: {  	s31 =	simm.s32 $0x3000;
	[sflag:s18] =	ssyncadd.s32 $0xFFFFC000  }
0x32: {  	[spmem:s2] =	stream.indirect.scatter.add.f32 [tilespmem:s17], [sflag:$0x2], $0x80, s31, s16, $0xb8;
	[tilespmem:$0x1DC00] =	vst v63  }
0x33: {  	_ =	swait.ge [sflag:s19], $0x4000  }
0x34: {  	[sflag:s19] =	ssyncset.done $0x0  }
0x35: {  	s21 =	simm.s32 $0x80;
	s20 =	simm.s32 $0x200;
	[sflag:s19] =	ssyncadd.s32 $0xFFFFC000  }
.LBB2_6:
0x36: {  	[tilespmem:s17], [sflag:$0x1] =	stream.indirect.gather [hbm4b:s4+s16], $0x80, s21, s16, $0xb8;
	[tilespmem:$0x1DC00] =	vst v63  }
0x37: {  	s21 =	smov.u32 s20  }
0x38: {  	p1 =	sne.s32 s20, $0x7E00;
	s20 =	sadd.s32 $0x200, s20;
	_ =	swait.ge [sflag:s18], $0x4000  }
0x39: {  	s21 =	sshra.s32 s21, $0x2;
	[sflag:s18] =	ssyncset.done $0x0  }
.Ltmp3:
0x3a: {  	s22 =	sadd.s32 $0x3000, s21;
	[sflag:s18] =	ssyncadd.s32 $0xFFFFC000;
	(pc) =	sbr.rel @p1 .LBB2_6-.Ltmp3, $4  }
0x3b: {  	[spmem:s2] =	stream.indirect.scatter.add.f32 [tilespmem:s17], [sflag:$0x2], $0x80, s22, s16, $0xb8;
	[tilespmem:$0x1DC00] =	vst v63  }
0x3c: {  	_ =	swait.ge [sflag:s19], $0x4000  }
0x3d: {  	[sflag:s19] =	ssyncset.done $0x0  }
0x3e: {  	s21 =	sadd.s32 $0x80, s21;
	[sflag:s19] =	ssyncadd.s32 $0xFFFFC000  }
.Ltmp4:
0x3f: {  	(pc) =	sbr.rel .LBB2_8-.Ltmp4, $3  }
0x40: {  	_ =	sdelay $0x1  }
0x41: {  	[tilespmem:s17], [sflag:$0x1] =	stream.indirect.gather [hbm4b:s4+s16], $0x80, s21, s16, $0xb8;
	[tilespmem:$0x1DC00] =	vst v63  }
0x42: {  	s20 =	simm.s32 $0x5000  }
.LBB2_2:
0x43: {  	[tilespmem:s20], [sflag:$0x3] =	stream.linear.gather [hbm4b:s7+s20], $0x2E00, $0x38;
	[tilespmem:$0x1DC00] =	vst v63  }
0x44: {  	_ =	swait.ge [sflag:s14], $0x2E00  }
0x45: {  	[sflag:s14] =	ssyncset.done $0x0  }
0x46: {  	[sflag:s14] =	ssyncadd.s32 $0xFFFFD200  }
0x47: {  	[tilespmem:s15], [sflag:$0x3] =	stream.linear.gather [hbm4b:s8+s20], $0x2E00, $0x38;
	[tilespmem:$0x1DC00] =	vst v63  }
0x48: {  	_ =	swait.ge [sflag:s14], $0x2E00  }
0x49: {  	[sflag:s14] =	ssyncset.done $0x0  }
0x4a: {  	[sflag:s14] =	ssyncadd.s32 $0xFFFFD200  }
0x4b: {  	[tilespmem:s17], [sflag:$0x1] =	stream.indirect.gather [hbm4b:s4+s16], $0x80, s20, s16, $0xb8;
	[tilespmem:$0x1DC00] =	vst v63  }
0x4c: {  	_ =	swait.ge [sflag:s18], $0x4000  }
0x4d: {  	p1 =	por $0x0, $0x0;
	[sflag:s18] =	ssyncset.done $0x0  }
.Ltmp5:
0x4e: {  	s31 =	simm.s32 $0x3000;
	[sflag:s18] =	ssyncadd.s32 $0xFFFFC000;
	(pc) =	sbr.rel @p1 .LBB2_4-.Ltmp5, $4  }
0x4f: {  	[spmem:s2] =	stream.indirect.scatter.add.f32 [tilespmem:s17], [sflag:$0x2], $0x80, s31, s16, $0xb8;
	[tilespmem:$0x1DC00] =	vst v63  }
0x50: {  	_ =	swait.ge [sflag:s19], $0x4000  }
0x51: {  	[sflag:s19] =	ssyncset.done $0x0  }
0x52: {  	s21 =	simm.s32 $0x80;
	s20 =	simm.s32 $0x200;
	[sflag:s19] =	ssyncadd.s32 $0xFFFFC000  }
.LBB2_3:
0x53: {  	[tilespmem:s17], [sflag:$0x1] =	stream.indirect.gather [hbm4b:s4+s16], $0x80, s21, s16, $0xb8;
	[tilespmem:$0x1DC00] =	vst v63  }
0x54: {  	s21 =	smov.u32 s20  }
0x55: {  	p1 =	seq.s32 s20, $0xB400;
	s20 =	sadd.s32 $0x200, s20;
	_ =	swait.ge [sflag:s18], $0x4000  }
0x56: {  	s21 =	sshra.s32 s21, $0x2;
	[sflag:s18] =	ssyncset.done $0x0  }
.Ltmp6:
0x57: {  	s22 =	sadd.s32 $0x3000, s21;
	[sflag:s18] =	ssyncadd.s32 $0xFFFFC000;
	(pc) =	sbr.rel @!p1 .LBB2_3-.Ltmp6, $4  }
0x58: {  	[spmem:s2] =	stream.indirect.scatter.add.f32 [tilespmem:s17], [sflag:$0x2], $0x80, s22, s16, $0xb8;
	[tilespmem:$0x1DC00] =	vst v63  }
0x59: {  	_ =	swait.ge [sflag:s19], $0x4000  }
0x5a: {  	[sflag:s19] =	ssyncset.done $0x0  }
0x5b: {  	s21 =	sadd.s32 $0x80, s21;
	[sflag:s19] =	ssyncadd.s32 $0xFFFFC000  }
.Ltmp7:
0x5c: {  	_ = 	snop;
	(pc) =	sbr.rel .LBB2_4-.Ltmp7, $1  }
0x5d: {  	_ =	sdelay $0x3  }
.LBB2_9:
0x5e: {  	_ =	sfence.sel $0x180000  }
0x5f: {  	[bflag:$0x0] =	sbarrier.arrive $0xFFFF  }
0x60: {  	p0 =	sne.s32 s1, $0x0;
	_ =	strace $0x9000004A  }
0x61: {  	s0 =	sadd.s32 @!p0 $0x100000, s0;
	[bflag:$0x2] =	sbarrier.arrive $0xFFFF  }
0x62: {  	[sflag:s0] =	ssyncadd.tile.s32 @!p0 $0x1;
	_ =	shalt  }
.Lfunc_end2:
_tile_overlayer_lowered:
.L_overlay_start_2:
0x63: {  	(tag) =	ssettag $0x2  }
0x64: {  	s0 =	rddreg [dreg:$0x0];
	s2 =	stileid.u32  }
0x65: {  	s1 =	rddreg [dreg:$0x1];
	p0 =	sne.s32 s2, $0x0  }
0x66: {  	s3 =	rddreg [dreg:$0x2];
	[bflag:$0x3] =	sbarrier.arrive $0xFFFF;
	s2 =	simm.s32 @!p0 $0x1C03  }
0x67: {  	[timem:s3], [sflag:s2] =	dma.local @!p0 [hbm:s0], s1  }
0x68: {  	s0 =	simm.s32 @!p0 $0x3  }
0x69: {  	_ =	swait.ge @!p0 [sflag:s0], s1  }
0x6a: {  	s1 =	ssub.s32 @!p0 $0x0, s1;
	[sflag:s0] =	ssyncset.done @!p0 $0x0  }
0x6b: {  	[sflag:s0] =	ssyncadd.s32 @!p0 s1  }
0x6c: {  	[bflag:$0x3] =	sbarrier.arrive $0xFFFF  }
0x6d: {  	_ =	shalt  }

// kernel: kernel.14.cloned.1.call-start
scs
__scs_entry_jumppad:
0x0: {  	(pc) =	sbr.rel $0x88, $3  }
0x1: {  	(tag) =	ssettag $0x0;
	lr =	simm.s32 $0x1  }
0x2: {  	[smem:$0x3F8C] =	sst lr;
	_ =	strace $0xD0000000  }
0x3: {  	_ = 	snop  }
0x4: {  	_ = 	snop  }
0x5: {  	_ = 	snop  }
0x6: {  	_ = 	snop  }
0x7: {  	_ = 	snop  }
__scs_overlays_trampoline_lowered:
0x8: {  	[smem:$0x3F9B] =	sst s0  }
0x9: {  	[smem:$0x3F9C] =	sst s1  }
0xa: {  	[smem:$0x3F9D] =	sst s2  }
0xb: {  	[smem:$0x3F9E] =	sst s3  }
0xc: {  	[smem:$0x3F9F] =	sst s4  }
0xd: {  	[smem:$0x3FA0] =	sst s5  }
0xe: {  	[smem:$0x3FA1] =	sst s6  }
0xf: {  	[smem:$0x3FA2] =	sst s7  }
0x10: {  	[smem:$0x3FA3] =	sst s8  }
0x11: {  	[smem:$0x3FA4] =	sst s9;
	s0 =	simm.s32 @!p0 $0x0  }
0x12: {  	s1 =	sld [smem:$0x3F8A];
	s0 =	simm.s32 @p0 $0x1  }
0x13: {  	[smem:$0x3FA5] =	sst s0;
	s0 =	simm.s32 @!p1 $0x0  }
0x14: {  	s2 =	sld [smem:$0x3F89];
	s0 =	simm.s32 @p1 $0x1  }
0x15: {  	[smem:$0x3FA6] =	sst s0;
	s0 =	simm.s32 @!p2 $0x0  }
0x16: {  	s3 =	sld [smem:$0x3FDB];
	s0 =	simm.s32 @p2 $0x1  }
0x17: {  	s4 =	simm.s32 $0x1BF5;
	[smem:$0x3FA8] =	sst s0  }
0x18: {  	s0 =	sld [smem:$0x3F8B];
	_ =	swait.ge [sflag:s4], $0x0  }
0x19: {  	s7 =	sld [smem:$0x3F8C]  }
0x1a: {  	s8 =	sadd.s32 $0xFFFFE003, lr  }
0x1b: {  	s9 =	sadd.s32 $0xFFFFFEF7, lr;
	s5 =	simm.s32 $0xFFFFFFFF;
	p2 =	slt.u32 s8, $0xFFFFF086  }
0x1c: {  	p1 =	slt.u32 s9, $0xF7A;
	s5 =	simm.s32 @!p2 $0x0  }
0x1d: {  	s5 =	simm.s32 @p1 $0x1;
	p0 =	seq.s32 s7, s2  }
0x1e: {  	s7 =	smul.u32 @!p0 $0xF7A, s2;
	p2 =	seq.s32 @!p0 s5, $0x0  }
0x1f: {  	s9 =	smul.u32 $0xF7A, s1;
	s8 =	simm.s32 @!p0 $0x1BF5;
	p2 =	por !p2, p0  }
0x20: {  	[sflag:s8] =	ssyncset.s32 @!p0 $0xFFFFF086;
	s6 =	sadd.s32 @!p0 s3, s7;
	s7 =	simm.s32 @!p0 $0x108  }
0x21: {  	s3 =	sadd.s32 s3, s9;
	s6 =	sadd.s32 @!p0 $0x88, s6;
	s7 =	simm.s32 @p2 $0x1082  }
0x22: {  	[simem:s7], [sflag:s8] =	dma.local @!p0 [hbm:s6], $0xF7A  }
0x23: {  	s9 =	sor.u32 $0xD0000000, s2;
	s6 =	simm.s32 $0x108;
	_ =	swait.ge @!p0 [sflag:s8], $0x0  }
0x24: {  	s3 =	sadd.s32 $0x88, s3;
	s6 =	simm.s32 @!p1 $0x1082;
	[sflag:s4] =	ssyncset.s32 $0xFFFFF086  }
0x25: {  	[simem:s6], [sflag:s4] =	dma.local [hbm:s3], $0xF7A  }
0x26: {  	[smem:$0x3F8C] =	sst s1;
	(tag) =	ssettag s2;
	_ =	strace s9  }
0x27: {  	s1 =	sld [smem:$0x3F9C]  }
0x28: {  	s2 =	sld [smem:$0x3F9D]  }
0x29: {  	s4 =	sld [smem:$0x3F9F]  }
0x2a: {  	p0 =	seq.s32 s5, $0x0;
	s5 =	sld [smem:$0x3FA0]  }
0x2b: {  	s6 =	sld [smem:$0x3FA1]  }
0x2c: {  	s7 =	sld [smem:$0x3FA2]  }
0x2d: {  	s3 =	simm.s32 $0x108;
	s8 =	sld [smem:$0x3FA3]  }
0x2e: {  	s3 =	simm.s32 @!p0 $0x1082;
	s9 =	sld [smem:$0x3FA4]  }
0x2f: {  	lr =	sadd.s32 s0, s3;
	s0 =	sld [smem:$0x3F9B]  }
0x30: {  	s3 =	sld [smem:$0x3F9E]  }
0x31: {  	[smem:$0x3FA7] =	sst s10  }
0x32: {  	s10 =	sld [smem:$0x3FA5];
	_ =	sdelay $0x3  }
0x33: {  	p0 =	seq.s32 s10, $0x1;
	s10 =	sld [smem:$0x3FA7];
	_ =	sdelay $0x3  }
0x34: {  	[smem:$0x3FA7] =	sst s10  }
0x35: {  	s10 =	sld [smem:$0x3FA6];
	_ =	sdelay $0x3  }
0x36: {  	p1 =	seq.s32 s10, $0x1;
	s10 =	sld [smem:$0x3FA7];
	_ =	sdelay $0x3  }
0x37: {  	[smem:$0x3FA7] =	sst s10  }
0x38: {  	s10 =	sld [smem:$0x3FA8]  }
0x39: {  	_ = 	snop;
	(pc) =	sbr.ind lr, $3  }
0x3a: {  	_ = 	snop  }
0x3b: {  	_ = 	snop  }
0x3c: {  	p2 =	seq.s32 s10, $0x1;
	s10 =	sld [smem:$0x3FA7]  }
0x3d: {  	_ =	shalt  }
0x3e: {  	_ =	shalt  }
0x3f: {  	_ =	shalt  }
0x40: {  	_ =	shalt  }
0x41: {  	_ =	shalt  }
0x42: {  	_ =	shalt  }
0x43: {  	_ =	shalt  }
0x44: {  	_ =	shalt  }
0x45: {  	_ =	shalt  }
0x46: {  	_ =	shalt  }
0x47: {  	_ =	shalt  }
0x48: {  	_ =	shalt  }
0x49: {  	_ =	shalt  }
0x4a: {  	_ =	shalt  }
0x4b: {  	_ =	shalt  }
0x4c: {  	_ =	shalt  }
0x4d: {  	_ =	shalt  }
0x4e: {  	_ =	shalt  }
0x4f: {  	_ =	shalt  }
0x50: {  	_ =	shalt  }
0x51: {  	_ =	shalt  }
0x52: {  	_ =	shalt  }
0x53: {  	_ =	shalt  }
0x54: {  	_ =	shalt  }
0x55: {  	_ =	shalt  }
0x56: {  	_ =	shalt  }
0x57: {  	_ =	shalt  }
0x58: {  	_ =	shalt  }
0x59: {  	_ =	shalt  }
0x5a: {  	_ =	shalt  }
0x5b: {  	_ =	shalt  }
0x5c: {  	_ =	shalt  }
0x5d: {  	_ =	shalt  }
0x5e: {  	_ =	shalt  }
0x5f: {  	_ =	shalt  }
0x60: {  	_ =	shalt  }
0x61: {  	_ =	shalt  }
0x62: {  	_ =	shalt  }
0x63: {  	_ =	shalt  }
0x64: {  	_ =	shalt  }
0x65: {  	_ =	shalt  }
0x66: {  	_ =	shalt  }
0x67: {  	_ =	shalt  }
0x68: {  	_ =	shalt  }
0x69: {  	_ =	shalt  }
0x6a: {  	_ =	shalt  }
0x6b: {  	_ =	shalt  }
0x6c: {  	_ =	shalt  }
0x6d: {  	_ =	shalt  }
0x6e: {  	_ =	shalt  }
0x6f: {  	_ =	shalt  }
0x70: {  	_ =	shalt  }
0x71: {  	_ =	shalt  }
0x72: {  	_ =	shalt  }
0x73: {  	_ =	shalt  }
0x74: {  	_ =	shalt  }
0x75: {  	_ =	shalt  }
0x76: {  	_ =	shalt  }
0x77: {  	_ =	shalt  }
0x78: {  	_ =	shalt  }
0x79: {  	_ =	shalt  }
0x7a: {  	_ =	shalt  }
0x7b: {  	_ =	shalt  }
0x7c: {  	_ =	shalt  }
0x7d: {  	_ =	shalt  }
0x7e: {  	_ =	shalt  }
0x7f: {  	_ =	shalt  }
0x80: {  	_ =	shalt  }
0x81: {  	_ =	shalt  }
0x82: {  	_ =	shalt  }
0x83: {  	_ =	shalt  }
0x84: {  	_ =	shalt  }
0x85: {  	_ =	shalt  }
0x86: {  	_ =	shalt  }
0x87: {  	_ =	shalt  }
.Lfunc_end0:
.L_simem_size_0:
called_computation.2_lowered:
.L_overlay_start_0:
0x88: {  	s2 =	sld [smem:$0x3FD9]  }
0x89: {  	s3 =	sld [smem:$0x3FFE];
	_ =	sdelay $0x1  }
0x8a: {  	s1 =	srdreg.scid  }
0x8b: {  	s0 =	sand.u32 $0x1, s1  }
0x8c: {  	s14 =	sshll.u32 s0, $0xA;
	s2 =	sadd.s32 s3, s2  }
0x8d: {  	s2 =	sadd.s32 s2, s14  }
0x8e: {  	[smem:$0x3FB3] =	sst s2  }
0x8f: {  	_ = 	snop  }
0x90: {  	s2 =	sld [smem:$0x3FD0];
	_ =	sdelay $0x2  }
0x91: {  	s15 =	simm.s32 $0xA;
	s4 =	simm.s32 $0x10  }
0x92: {  	[smem:s4], [sflag:s15] =	dma.local [hbm:s2], $0x1  }
0x93: {  	_ =	swait.eq [sflag:s15], $0x1  }
0x94: {  	[sflag:s15] =	ssyncset.done $0x0  }
0x95: {  	[sflag:s15] =	ssyncadd.s32 $0xFFFFFFFF  }
0x96: {  	s16 =	sld [smem:$0x10];
	(tm) =	ssettm $0x1  }
0x97: {  	s17 =	sld [smem:$0x3FFB];
	_ =	sdelay $0x3  }
0x98: {  	_ =	strace s17  }
0x99: {  	s3 =	sld [smem:$0x3FFC];
	_ =	sdelay $0x3  }
0x9a: {  	_ =	strace s3  }
0x9b: {  	s3 =	sld [smem:$0x3FFD];
	_ =	sdelay $0x3  }
0x9c: {  	_ =	strace s3  }
0x9d: {  	_ =	strace $0x8FFFFFFF  }
0x9e: {  	s18 =	sld [smem:$0x3FDB];
	_ =	sdelay $0x1  }
0x9f: {  	s19 =	simm.s32 $_scs_section_size  }
0xa0: {  	s5 =	simm.s32 $_size__tile_overlayer_lowered;
	s6 =	simm.s32 $_tile_overlayer_lowered  }
0xa1: {  	s22 =	simm.s32 $0x1BFF;
	s21 =	sshll.u32 s6, $0x1;
	s3 =	sadd.s32 s19, s18  }
0xa2: {  	s7 =	simm.s32 $0x0;
	s20 =	sshll.u32 s5, $0x1;
	s5 =	sadd.s32 s21, s3  }
0xa3: {  	[timem:s7], [sflag:s22] =	dma.local [hbm:s5], s20  }
0xa4: {  	_ =	swait.ge [sflag:s22], s20  }
0xa5: {  	s4 =	ssub.s32 $0x0, s20;
	[sflag:s22] =	ssyncset.done $0x0  }
0xa6: {  	[sflag:s22] =	ssyncadd.s32 s4;
	_ =	sdelay $0x1  }
0xa7: {  	s23 =	simm.s32 $0x1B8B  }
0xa8: {  	_ =	swait.ge [sflag:s23], $0x1  }
0xa9: {  	[sflag:s23] =	ssyncset.done $0x0  }
0xaa: {  	s25 =	simm.s32 $0x1B8E;
	s24 =	sld [smem:$0x3FFE];
	[sflag:s23] =	ssyncadd.s32 $0xFFFFFFFF  }
0xab: {  	s26 =	simm.s32 $execute0_lowered;
	[smem:$0x3FD2] =	sst s25  }
0xac: {  	s5 =	sshll.u32 s26, $0x1;
	_ =	strace $0x8000004C;
	[dreg:$0x1] =	wrdreg $0xFFFFFFFF  }
0xad: {  	s28 =	simm.s32 $_size_execute0_lowered;
	s3 =	sadd.s32 s3, s5;
	[dreg:$0x0] =	wrdreg $0x0  }
0xae: {  	s5 =	sshll.u32 s28, $0x1;
	[dreg:$0x2] =	wrdreg s3  }
0xaf: {  	[dreg:$0x3] =	wrdreg s5  }
0xb0: {  	[dreg:$0x4] =	wrdreg $0xC0  }
0xb1: {  	_ =	task [dreg:s7], $0x5FFFF  }
0xb2: {  	[dreg:$0x1] =	wrdreg $0xFFFFFFFF  }
0xb3: {  	[dreg:$0x0] =	wrdreg $0x60  }
0xb4: {  	[dreg:$0x2] =	wrdreg s24  }
0xb5: {  	[dreg:$0x3] =	wrdreg s16  }
0xb6: {  	[dreg:$0x4] =	wrdreg $0xA0000  }
0xb7: {  	[dreg:$0x5] =	wrdreg $0x9  }
0xb8: {  	_ =	task.clear_ibuf [dreg:s7], $0x6FFFF;
	_ =	strace $0x9000004C  }
0xb9: {  	s29 =	simm.s32 $0x9;
	_ =	strace $0x8000004E  }
0xba: {  	_ =	swait.ge [sflag:s29], $0x1  }
0xbb: {  	[sflag:s29] =	ssyncadd.s32 $0xFFFFFFFF  }
0xbc: {  	_ =	strace $0x9000004E  }
0xbd: {  	_ =	sfence  }
0xbe: {  	s30 =	sld [smem:$0x0];
	_ =	sdelay $0x2  }
0xbf: {  	s31 =	sshll.u32 s1, $0xD;
	s1 =	sshrl.u32 s1, $0x2  }
0xc0: {  	s3 =	sand.u32 $0x4000, s31;
	s1 =	sadd.s32 s1, s30  }
0xc1: {  	s0 =	sor.u32 s3, s0;
	s1 =	sshll.u32 s1, $0x11  }
0xc2: {  	s0 =	sor.u32 s1, s0  }
0xc3: {  	s0 =	sadd.s32 $0x8F2B, s0  }
0xc4: {  	[sflag:s0] =	ssyncadd.remote.s32 $0x1  }
0xc5: {  	_ =	sfence.sel $0xFFFF  }
0xc6: {  	[dreg:$0x0] =	wrdreg $0xFFFFFFFF;
	(pc) =	sbr.abs _section_cstart, $3  }
0xc7: {  	[dreg:$0x1] =	wrdreg $0xFFFFFFFF  }
0xc8: {  	_ =	task.clear_ibuf [dreg:s7], $0x2FFFF;
	_ =	strace $0x9FFFFFFF  }
0xc9: {  	(tm) =	ssettm $0x7FFFFFFF  }
tec
execute0_lowered:
.L_overlay_start_1:
0x0: {  	(tag) =	ssettag $0x1  }
0x1: {  	s5 =	rddreg [dreg:$0x0]  }
0x2: {  	s11 =	rddreg [dreg:$0x1]  }
0x3: {  	s2 =	rddreg [dreg:$0x2]  }
0x4: {  	s0 =	rddreg [dreg:$0x3];
	s3 =	simm.s32 $0x0;
	s1 =	stileid.u32  }
0x5: {  	s8 =	srdreg.scid;
	s16 =	simm.s32 $0x80;
	s6 =	smul.u32 $0x600, s1  }
0x6: {  	s17 =	simm.s32 $0x6000;
	s18 =	simm.s32 $0x1;
	s7 =	smul.u32 $0x480, s1  }
0x7: {  	s19 =	simm.s32 $0x2;
	[smem:$0x7FF] =	sst s3;
	s9 =	smul.u32 $0x13C00, s1  }
0x8: {  	s4 =	sadd.s32 $0x40000, s5;
	s8 =	sand.u32 $0x1, s8;
	s12 =	smul.u32 $0x4F000, s1  }
0x9: {  	s30 =	sshll.u32 s1, $0x6;
	_ =	strace $0x8000004D;
	s26 =	ssub.s32 $0x2, s8  }
0xa: {  	s31 =	smul.u32 $0x13C000, s8;
	p0 =	seq.s32 s8, $0x1;
	s10 =	sadd.s32 s6, s5  }
0xb: {  	s13 =	sadd.s32 s7, s5;
	s28 =	sshrl.u32 s9, $0x3;
	s14 =	sshrl.u32 s26, $0x1  }
0xc: {  	s29 =	sshrl.u32 s12, $0x2;
	s6 =	sor.u32 $0x1C03, s30;
	s5 =	sadd.s32 s28, s5  }
.Ltmp0:
0xd: {  	s14 =	ssub.s32 s26, s14;
	s15 =	sadd.s32 s29, s2;
	(pc) =	sbr.rel .LBB2_1-.Ltmp0, $4  }
0xe: {  	s7 =	sadd.s32 $0x9800, s10;
	s8 =	sadd.s32 $0x3800, s10;
	s12 =	sadd.s32 s9, s31  }
0xf: {  	s9 =	sadd.s32 $0xF800, s13;
	s10 =	sadd.s32 $0x14000, s13;
	s5 =	sadd.s32 $0x18800, s5  }
0x10: {  	s12 =	sshrl.u32 s12, $0x3;
	s13 =	sshrl.u32 s15, $0x3;
	s15 =	simm.s32 $0x3000  }
0x11: {  	s11 =	sadd.s32 s11, s12;
	s12 =	smax.u32 s14, $0x1;
	s14 =	simm.s32 $0x3  }
.LBB2_4:
0x12: {  	[tilespmem:s17], [sflag:$0x1] =	stream.indirect.gather [hbm4b:s4+s16], $0x80, s21, s16, $0xb8;
	[tilespmem:$0x1DC00] =	vst v63  }
0x13: {  	s20 =	simm.s32 $0x5D80  }
.LBB2_8:
0x14: {  	_ =	swait.ge [sflag:s18], $0x4000  }
0x15: {  	[sflag:s18] =	ssyncset.done $0x0  }
0x16: {  	[sflag:s18] =	ssyncadd.s32 $0xFFFFC000  }
0x17: {  	[spmem:s2] =	stream.indirect.scatter.add.f32 [tilespmem:s17], [sflag:$0x2], $0x80, s20, s16, $0xb8;
	[tilespmem:$0x1DC00] =	vst v63  }
0x18: {  	_ =	swait.ge [sflag:s19], $0x4000  }
0x19: {  	s3 =	sadd.s32 $0x1, s3;
	[sflag:s19] =	ssyncset.done $0x0  }
0x1a: {  	p1 =	sne.s32 s3, s12;
	[sflag:s19] =	ssyncadd.s32 $0xFFFFC000  }
.Ltmp1:
0x1b: {  	[bflag:$0x0] =	sbarrier.arrive $0xFFFF;
	(pc) =	sbr.rel @!p1 .LBB2_9-.Ltmp1, $4  }
0x1c: {  	[hbm:s11], [sflag:s6] =	dma.local [spmem:s13], $0x2780  }
0x1d: {  	_ =	swait.ge [sflag:s14], $0x2780  }
0x1e: {  	[sflag:s14] =	ssyncset.done $0x0  }
0x1f: {  	[sflag:s14] =	ssyncadd.s32 $0xFFFFD880  }
.LBB2_1:
0x20: {  	[spmem:s13], [sflag:s6] =	dma.local [hbm:s5], $0x2780  }
.Ltmp2:
0x21: {  	_ =	swait.ge [sflag:s14], $0x2780;
	(pc) =	sbr.rel @!p0 .LBB2_2-.Ltmp2, $4  }
0x22: {  	[sflag:s14] =	ssyncset.done $0x0  }
0x23: {  	[sflag:s14] =	ssyncadd.s32 $0xFFFFD880  }
0x24: {  	[bflag:$0x0] =	sbarrier.arrive $0xFFFF  }
0x25: {  	s20 =	simm.s32 $0x0  }
0x26: {  	[tilespmem:s20], [sflag:$0x3] =	stream.linear.gather [hbm4b:s9+s20], $0x2080, $0x38;
	[tilespmem:$0x1DC00] =	vst v63  }
0x27: {  	_ =	swait.ge [sflag:s14], $0x2080  }
0x28: {  	[sflag:s14] =	ssyncset.done $0x0  }
0x29: {  	[sflag:s14] =	ssyncadd.s32 $0xFFFFDF80  }
0x2a: {  	[tilespmem:s15], [sflag:$0x3] =	stream.linear.gather [hbm4b:s10+s20], $0x2080, $0x38;
	[tilespmem:$0x1DC00] =	vst v63  }
0x2b: {  	_ =	swait.ge [sflag:s14], $0x2080  }
0x2c: {  	[sflag:s14] =	ssyncset.done $0x0  }
0x2d: {  	[sflag:s14] =	ssyncadd.s32 $0xFFFFDF80  }
0x2e: {  	[tilespmem:s17], [sflag:$0x1] =	stream.indirect.gather [hbm4b:s4+s16], $0x80, s20, s16, $0xb8;
	[tilespmem:$0x1DC00] =	vst v63  }
0x2f: {  	_ =	swait.ge [sflag:s18], $0x4000  }
0x30: {  	[sflag:s18] =	ssyncset.done $0x0  }
0x31: {  	s31 =	simm.s32 $0x3000;
	[sflag:s18] =	ssyncadd.s32 $0xFFFFC000  }
0x32: {  	[spmem:s2] =	stream.indirect.scatter.add.f32 [tilespmem:s17], [sflag:$0x2], $0x80, s31, s16, $0xb8;
	[tilespmem:$0x1DC00] =	vst v63  }
0x33: {  	_ =	swait.ge [sflag:s19], $0x4000  }
0x34: {  	[sflag:s19] =	ssyncset.done $0x0  }
0x35: {  	s21 =	simm.s32 $0x80;
	s20 =	simm.s32 $0x200;
	[sflag:s19] =	ssyncadd.s32 $0xFFFFC000  }
.LBB2_6:
0x36: {  	[tilespmem:s17], [sflag:$0x1] =	stream.indirect.gather [hbm4b:s4+s16], $0x80, s21, s16, $0xb8;
	[tilespmem:$0x1DC00] =	vst v63  }
0x37: {  	s21 =	smov.u32 s20  }
0x38: {  	p1 =	sne.s32 s20, $0x7E00;
	s20 =	sadd.s32 $0x200, s20;
	_ =	swait.ge [sflag:s18], $0x4000  }
0x39: {  	s21 =	sshra.s32 s21, $0x2;
	[sflag:s18] =	ssyncset.done $0x0  }
.Ltmp3:
0x3a: {  	s22 =	sadd.s32 $0x3000, s21;
	[sflag:s18] =	ssyncadd.s32 $0xFFFFC000;
	(pc) =	sbr.rel @p1 .LBB2_6-.Ltmp3, $4  }
0x3b: {  	[spmem:s2] =	stream.indirect.scatter.add.f32 [tilespmem:s17], [sflag:$0x2], $0x80, s22, s16, $0xb8;
	[tilespmem:$0x1DC00] =	vst v63  }
0x3c: {  	_ =	swait.ge [sflag:s19], $0x4000  }
0x3d: {  	[sflag:s19] =	ssyncset.done $0x0  }
0x3e: {  	s21 =	sadd.s32 $0x80, s21;
	[sflag:s19] =	ssyncadd.s32 $0xFFFFC000  }
.Ltmp4:
0x3f: {  	(pc) =	sbr.rel .LBB2_8-.Ltmp4, $3  }
0x40: {  	_ =	sdelay $0x1  }
0x41: {  	[tilespmem:s17], [sflag:$0x1] =	stream.indirect.gather [hbm4b:s4+s16], $0x80, s21, s16, $0xb8;
	[tilespmem:$0x1DC00] =	vst v63  }
0x42: {  	s20 =	simm.s32 $0x5000  }
.LBB2_2:
0x43: {  	[tilespmem:s20], [sflag:$0x3] =	stream.linear.gather [hbm4b:s7+s20], $0x2E00, $0x38;
	[tilespmem:$0x1DC00] =	vst v63  }
0x44: {  	_ =	swait.ge [sflag:s14], $0x2E00  }
0x45: {  	[sflag:s14] =	ssyncset.done $0x0  }
0x46: {  	[sflag:s14] =	ssyncadd.s32 $0xFFFFD200  }
0x47: {  	[tilespmem:s15], [sflag:$0x3] =	stream.linear.gather [hbm4b:s8+s20], $0x2E00, $0x38;
	[tilespmem:$0x1DC00] =	vst v63  }
0x48: {  	_ =	swait.ge [sflag:s14], $0x2E00  }
0x49: {  	[sflag:s14] =	ssyncset.done $0x0  }
0x4a: {  	[sflag:s14] =	ssyncadd.s32 $0xFFFFD200  }
0x4b: {  	[tilespmem:s17], [sflag:$0x1] =	stream.indirect.gather [hbm4b:s4+s16], $0x80, s20, s16, $0xb8;
	[tilespmem:$0x1DC00] =	vst v63  }
0x4c: {  	_ =	swait.ge [sflag:s18], $0x4000  }
0x4d: {  	p1 =	por $0x0, $0x0;
	[sflag:s18] =	ssyncset.done $0x0  }
.Ltmp5:
0x4e: {  	s31 =	simm.s32 $0x3000;
	[sflag:s18] =	ssyncadd.s32 $0xFFFFC000;
	(pc) =	sbr.rel @p1 .LBB2_4-.Ltmp5, $4  }
0x4f: {  	[spmem:s2] =	stream.indirect.scatter.add.f32 [tilespmem:s17], [sflag:$0x2], $0x80, s31, s16, $0xb8;
	[tilespmem:$0x1DC00] =	vst v63  }
0x50: {  	_ =	swait.ge [sflag:s19], $0x4000  }
0x51: {  	[sflag:s19] =	ssyncset.done $0x0  }
0x52: {  	s21 =	simm.s32 $0x80;
	s20 =	simm.s32 $0x200;
	[sflag:s19] =	ssyncadd.s32 $0xFFFFC000  }
.LBB2_3:
0x53: {  	[tilespmem:s17], [sflag:$0x1] =	stream.indirect.gather [hbm4b:s4+s16], $0x80, s21, s16, $0xb8;
	[tilespmem:$0x1DC00] =	vst v63  }
0x54: {  	s21 =	smov.u32 s20  }
0x55: {  	p1 =	seq.s32 s20, $0xB400;
	s20 =	sadd.s32 $0x200, s20;
	_ =	swait.ge [sflag:s18], $0x4000  }
0x56: {  	s21 =	sshra.s32 s21, $0x2;
	[sflag:s18] =	ssyncset.done $0x0  }
.Ltmp6:
0x57: {  	s22 =	sadd.s32 $0x3000, s21;
	[sflag:s18] =	ssyncadd.s32 $0xFFFFC000;
	(pc) =	sbr.rel @!p1 .LBB2_3-.Ltmp6, $4  }
0x58: {  	[spmem:s2] =	stream.indirect.scatter.add.f32 [tilespmem:s17], [sflag:$0x2], $0x80, s22, s16, $0xb8;
	[tilespmem:$0x1DC00] =	vst v63  }
0x59: {  	_ =	swait.ge [sflag:s19], $0x4000  }
0x5a: {  	[sflag:s19] =	ssyncset.done $0x0  }
0x5b: {  	s21 =	sadd.s32 $0x80, s21;
	[sflag:s19] =	ssyncadd.s32 $0xFFFFC000  }
.Ltmp7:
0x5c: {  	_ = 	snop;
	(pc) =	sbr.rel .LBB2_4-.Ltmp7, $1  }
0x5d: {  	_ =	sdelay $0x3  }
.LBB2_9:
0x5e: {  	_ =	sfence.sel $0x180000  }
0x5f: {  	[bflag:$0x0] =	sbarrier.arrive $0xFFFF  }
0x60: {  	p0 =	sne.s32 s1, $0x0;
	_ =	strace $0x9000004D  }
0x61: {  	s0 =	sadd.s32 @!p0 $0x100000, s0;
	[bflag:$0x2] =	sbarrier.arrive $0xFFFF  }
0x62: {  	[sflag:s0] =	ssyncadd.tile.s32 @!p0 $0x1;
	_ =	shalt  }
.Lfunc_end2:
_tile_overlayer_lowered:
.L_overlay_start_2:
0x63: {  	(tag) =	ssettag $0x2  }
0x64: {  	s0 =	rddreg [dreg:$0x0];
	s2 =	stileid.u32  }
0x65: {  	s1 =	rddreg [dreg:$0x1];
	p0 =	sne.s32 s2, $0x0  }
0x66: {  	s3 =	rddreg [dreg:$0x2];
	[bflag:$0x3] =	sbarrier.arrive $0xFFFF;
	s2 =	simm.s32 @!p0 $0x1C03  }
0x67: {  	[timem:s3], [sflag:s2] =	dma.local @!p0 [hbm:s0], s1  }
0x68: {  	s0 =	simm.s32 @!p0 $0x3  }
0x69: {  	_ =	swait.ge @!p0 [sflag:s0], s1  }
0x6a: {  	s1 =	ssub.s32 @!p0 $0x0, s1;
	[sflag:s0] =	ssyncset.done @!p0 $0x0  }
0x6b: {  	[sflag:s0] =	ssyncadd.s32 @!p0 s1  }
0x6c: {  	[bflag:$0x3] =	sbarrier.arrive $0xFFFF  }
0x6d: {  	_ =	shalt  }

// kernel: kernel.8.cloned.1.call-start
scs
__scs_entry_jumppad:
0x0: {  	(pc) =	sbr.rel $0x88, $3  }
0x1: {  	(tag) =	ssettag $0x0;
	lr =	simm.s32 $0x1  }
0x2: {  	[smem:$0x3F8C] =	sst lr;
	_ =	strace $0xD0000000  }
0x3: {  	_ = 	snop  }
0x4: {  	_ = 	snop  }
0x5: {  	_ = 	snop  }
0x6: {  	_ = 	snop  }
0x7: {  	_ = 	snop  }
__scs_overlays_trampoline_lowered:
0x8: {  	[smem:$0x3F9B] =	sst s0  }
0x9: {  	[smem:$0x3F9C] =	sst s1  }
0xa: {  	[smem:$0x3F9D] =	sst s2  }
0xb: {  	[smem:$0x3F9E] =	sst s3  }
0xc: {  	[smem:$0x3F9F] =	sst s4  }
0xd: {  	[smem:$0x3FA0] =	sst s5  }
0xe: {  	[smem:$0x3FA1] =	sst s6  }
0xf: {  	[smem:$0x3FA2] =	sst s7  }
0x10: {  	[smem:$0x3FA3] =	sst s8  }
0x11: {  	[smem:$0x3FA4] =	sst s9;
	s0 =	simm.s32 @!p0 $0x0  }
0x12: {  	s1 =	sld [smem:$0x3F8A];
	s0 =	simm.s32 @p0 $0x1  }
0x13: {  	[smem:$0x3FA5] =	sst s0;
	s0 =	simm.s32 @!p1 $0x0  }
0x14: {  	s2 =	sld [smem:$0x3F89];
	s0 =	simm.s32 @p1 $0x1  }
0x15: {  	[smem:$0x3FA6] =	sst s0;
	s0 =	simm.s32 @!p2 $0x0  }
0x16: {  	s3 =	sld [smem:$0x3FDB];
	s0 =	simm.s32 @p2 $0x1  }
0x17: {  	s4 =	simm.s32 $0x1BF5;
	[smem:$0x3FA8] =	sst s0  }
0x18: {  	s0 =	sld [smem:$0x3F8B];
	_ =	swait.ge [sflag:s4], $0x0  }
0x19: {  	s7 =	sld [smem:$0x3F8C]  }
0x1a: {  	s8 =	sadd.s32 $0xFFFFE003, lr  }
0x1b: {  	s9 =	sadd.s32 $0xFFFFFEF7, lr;
	s5 =	simm.s32 $0xFFFFFFFF;
	p2 =	slt.u32 s8, $0xFFFFF086  }
0x1c: {  	p1 =	slt.u32 s9, $0xF7A;
	s5 =	simm.s32 @!p2 $0x0  }
0x1d: {  	s5 =	simm.s32 @p1 $0x1;
	p0 =	seq.s32 s7, s2  }
0x1e: {  	s7 =	smul.u32 @!p0 $0xF7A, s2;
	p2 =	seq.s32 @!p0 s5, $0x0  }
0x1f: {  	s9 =	smul.u32 $0xF7A, s1;
	s8 =	simm.s32 @!p0 $0x1BF5;
	p2 =	por !p2, p0  }
0x20: {  	[sflag:s8] =	ssyncset.s32 @!p0 $0xFFFFF086;
	s6 =	sadd.s32 @!p0 s3, s7;
	s7 =	simm.s32 @!p0 $0x108  }
0x21: {  	s3 =	sadd.s32 s3, s9;
	s6 =	sadd.s32 @!p0 $0x88, s6;
	s7 =	simm.s32 @p2 $0x1082  }
0x22: {  	[simem:s7], [sflag:s8] =	dma.local @!p0 [hbm:s6], $0xF7A  }
0x23: {  	s9 =	sor.u32 $0xD0000000, s2;
	s6 =	simm.s32 $0x108;
	_ =	swait.ge @!p0 [sflag:s8], $0x0  }
0x24: {  	s3 =	sadd.s32 $0x88, s3;
	s6 =	simm.s32 @!p1 $0x1082;
	[sflag:s4] =	ssyncset.s32 $0xFFFFF086  }
0x25: {  	[simem:s6], [sflag:s4] =	dma.local [hbm:s3], $0xF7A  }
0x26: {  	[smem:$0x3F8C] =	sst s1;
	(tag) =	ssettag s2;
	_ =	strace s9  }
0x27: {  	s1 =	sld [smem:$0x3F9C]  }
0x28: {  	s2 =	sld [smem:$0x3F9D]  }
0x29: {  	s4 =	sld [smem:$0x3F9F]  }
0x2a: {  	p0 =	seq.s32 s5, $0x0;
	s5 =	sld [smem:$0x3FA0]  }
0x2b: {  	s6 =	sld [smem:$0x3FA1]  }
0x2c: {  	s7 =	sld [smem:$0x3FA2]  }
0x2d: {  	s3 =	simm.s32 $0x108;
	s8 =	sld [smem:$0x3FA3]  }
0x2e: {  	s3 =	simm.s32 @!p0 $0x1082;
	s9 =	sld [smem:$0x3FA4]  }
0x2f: {  	lr =	sadd.s32 s0, s3;
	s0 =	sld [smem:$0x3F9B]  }
0x30: {  	s3 =	sld [smem:$0x3F9E]  }
0x31: {  	[smem:$0x3FA7] =	sst s10  }
0x32: {  	s10 =	sld [smem:$0x3FA5];
	_ =	sdelay $0x3  }
0x33: {  	p0 =	seq.s32 s10, $0x1;
	s10 =	sld [smem:$0x3FA7];
	_ =	sdelay $0x3  }
0x34: {  	[smem:$0x3FA7] =	sst s10  }
0x35: {  	s10 =	sld [smem:$0x3FA6];
	_ =	sdelay $0x3  }
0x36: {  	p1 =	seq.s32 s10, $0x1;
	s10 =	sld [smem:$0x3FA7];
	_ =	sdelay $0x3  }
0x37: {  	[smem:$0x3FA7] =	sst s10  }
0x38: {  	s10 =	sld [smem:$0x3FA8]  }
0x39: {  	_ = 	snop;
	(pc) =	sbr.ind lr, $3  }
0x3a: {  	_ = 	snop  }
0x3b: {  	_ = 	snop  }
0x3c: {  	p2 =	seq.s32 s10, $0x1;
	s10 =	sld [smem:$0x3FA7]  }
0x3d: {  	_ =	shalt  }
0x3e: {  	_ =	shalt  }
0x3f: {  	_ =	shalt  }
0x40: {  	_ =	shalt  }
0x41: {  	_ =	shalt  }
0x42: {  	_ =	shalt  }
0x43: {  	_ =	shalt  }
0x44: {  	_ =	shalt  }
0x45: {  	_ =	shalt  }
0x46: {  	_ =	shalt  }
0x47: {  	_ =	shalt  }
0x48: {  	_ =	shalt  }
0x49: {  	_ =	shalt  }
0x4a: {  	_ =	shalt  }
0x4b: {  	_ =	shalt  }
0x4c: {  	_ =	shalt  }
0x4d: {  	_ =	shalt  }
0x4e: {  	_ =	shalt  }
0x4f: {  	_ =	shalt  }
0x50: {  	_ =	shalt  }
0x51: {  	_ =	shalt  }
0x52: {  	_ =	shalt  }
0x53: {  	_ =	shalt  }
0x54: {  	_ =	shalt  }
0x55: {  	_ =	shalt  }
0x56: {  	_ =	shalt  }
0x57: {  	_ =	shalt  }
0x58: {  	_ =	shalt  }
0x59: {  	_ =	shalt  }
0x5a: {  	_ =	shalt  }
0x5b: {  	_ =	shalt  }
0x5c: {  	_ =	shalt  }
0x5d: {  	_ =	shalt  }
0x5e: {  	_ =	shalt  }
0x5f: {  	_ =	shalt  }
0x60: {  	_ =	shalt  }
0x61: {  	_ =	shalt  }
0x62: {  	_ =	shalt  }
0x63: {  	_ =	shalt  }
0x64: {  	_ =	shalt  }
0x65: {  	_ =	shalt  }
0x66: {  	_ =	shalt  }
0x67: {  	_ =	shalt  }
0x68: {  	_ =	shalt  }
0x69: {  	_ =	shalt  }
0x6a: {  	_ =	shalt  }
0x6b: {  	_ =	shalt  }
0x6c: {  	_ =	shalt  }
0x6d: {  	_ =	shalt  }
0x6e: {  	_ =	shalt  }
0x6f: {  	_ =	shalt  }
0x70: {  	_ =	shalt  }
0x71: {  	_ =	shalt  }
0x72: {  	_ =	shalt  }
0x73: {  	_ =	shalt  }
0x74: {  	_ =	shalt  }
0x75: {  	_ =	shalt  }
0x76: {  	_ =	shalt  }
0x77: {  	_ =	shalt  }
0x78: {  	_ =	shalt  }
0x79: {  	_ =	shalt  }
0x7a: {  	_ =	shalt  }
0x7b: {  	_ =	shalt  }
0x7c: {  	_ =	shalt  }
0x7d: {  	_ =	shalt  }
0x7e: {  	_ =	shalt  }
0x7f: {  	_ =	shalt  }
0x80: {  	_ =	shalt  }
0x81: {  	_ =	shalt  }
0x82: {  	_ =	shalt  }
0x83: {  	_ =	shalt  }
0x84: {  	_ =	shalt  }
0x85: {  	_ =	shalt  }
0x86: {  	_ =	shalt  }
0x87: {  	_ =	shalt  }
.Lfunc_end0:
.L_simem_size_0:
called_computation_lowered:
.L_overlay_start_0:
0x88: {  	s2 =	sld [smem:$0x3FD9]  }
0x89: {  	s3 =	sld [smem:$0x3FFE];
	_ =	sdelay $0x1  }
0x8a: {  	s1 =	srdreg.scid  }
0x8b: {  	s0 =	sand.u32 $0x1, s1  }
0x8c: {  	s14 =	sshll.u32 s0, $0xA;
	s2 =	sadd.s32 s3, s2  }
0x8d: {  	s2 =	sadd.s32 s2, s14  }
0x8e: {  	[smem:$0x3FB3] =	sst s2  }
0x8f: {  	_ = 	snop  }
0x90: {  	s2 =	sld [smem:$0x3FD0];
	_ =	sdelay $0x2  }
0x91: {  	s4 =	simm.s32 $0xA;
	s5 =	simm.s32 $0x10;
	s15 =	sld [smem:$0x3FC9]  }
0x92: {  	[smem:s5], [sflag:s4] =	dma.local [hbm:s2], $0x1  }
0x93: {  	_ =	swait.eq [sflag:s4], $0x1  }
0x94: {  	[sflag:s4] =	ssyncset.done $0x0  }
0x95: {  	[sflag:s4] =	ssyncadd.s32 $0xFFFFFFFF  }
0x96: {  	s16 =	sld [smem:$0x10];
	(tm) =	ssettm $0x1  }
0x97: {  	s17 =	sld [smem:$0x3FFB];
	_ =	sdelay $0x3  }
0x98: {  	_ =	strace s17  }
0x99: {  	s4 =	sld [smem:$0x3FFC];
	_ =	sdelay $0x3  }
0x9a: {  	_ =	strace s4  }
0x9b: {  	s4 =	sld [smem:$0x3FFD];
	_ =	sdelay $0x3  }
0x9c: {  	_ =	strace s4  }
0x9d: {  	_ =	strace $0x8FFFFFFF  }
0x9e: {  	s18 =	sld [smem:$0x3FDB];
	_ =	sdelay $0x1  }
0x9f: {  	s19 =	simm.s32 $_scs_section_size  }
0xa0: {  	s6 =	simm.s32 $_size__tile_overlayer_lowered;
	s7 =	simm.s32 $_tile_overlayer_lowered  }
0xa1: {  	s22 =	simm.s32 $0x1BFF;
	s21 =	sshll.u32 s7, $0x1;
	s4 =	sadd.s32 s19, s18  }
0xa2: {  	s8 =	simm.s32 $0x0;
	s20 =	sshll.u32 s6, $0x1;
	s6 =	sadd.s32 s21, s4  }
0xa3: {  	[timem:s8], [sflag:s22] =	dma.local [hbm:s6], s20  }
0xa4: {  	_ =	swait.ge [sflag:s22], s20  }
0xa5: {  	s5 =	ssub.s32 $0x0, s20;
	[sflag:s22] =	ssyncset.done $0x0  }
0xa6: {  	[sflag:s22] =	ssyncadd.s32 s5;
	_ =	sdelay $0x1  }
0xa7: {  	s23 =	simm.s32 $0x1B8B  }
0xa8: {  	_ =	swait.ge [sflag:s23], $0x1  }
0xa9: {  	[sflag:s23] =	ssyncset.done $0x0  }
0xaa: {  	s25 =	simm.s32 $0x1B8E;
	s24 =	sld [smem:$0x3FFE];
	[sflag:s23] =	ssyncadd.s32 $0xFFFFFFFF  }
0xab: {  	s26 =	simm.s32 $execute0_lowered;
	[smem:$0x3FD2] =	sst s25  }
0xac: {  	s6 =	sshll.u32 s26, $0x1;
	_ =	strace $0x80000046;
	[dreg:$0x1] =	wrdreg $0xFFFFFFFF  }
0xad: {  	s28 =	simm.s32 $_size_execute0_lowered;
	s4 =	sadd.s32 s4, s6;
	[dreg:$0x0] =	wrdreg $0x0  }
0xae: {  	s6 =	sshll.u32 s28, $0x1;
	[dreg:$0x2] =	wrdreg s4  }
0xaf: {  	[dreg:$0x3] =	wrdreg s6  }
0xb0: {  	[dreg:$0x4] =	wrdreg $0xC0  }
0xb1: {  	_ =	task [dreg:s8], $0x5FFFF  }
0xb2: {  	[dreg:$0x1] =	wrdreg $0xFFFFFFFF  }
0xb3: {  	[dreg:$0x0] =	wrdreg $0x60  }
0xb4: {  	[dreg:$0x2] =	wrdreg s15  }
0xb5: {  	[dreg:$0x3] =	wrdreg s24  }
0xb6: {  	[dreg:$0x4] =	wrdreg s16  }
0xb7: {  	[dreg:$0x5] =	wrdreg $0xA0000  }
0xb8: {  	[dreg:$0x6] =	wrdreg $0x9  }
0xb9: {  	_ =	task.clear_ibuf [dreg:s8], $0x7FFFF;
	_ =	strace $0x90000046  }
0xba: {  	s29 =	simm.s32 $0x9;
	_ =	strace $0x80000048  }
0xbb: {  	_ =	swait.ge [sflag:s29], $0x1  }
0xbc: {  	[sflag:s29] =	ssyncadd.s32 $0xFFFFFFFF  }
0xbd: {  	_ =	strace $0x90000048  }
0xbe: {  	_ =	sfence  }
0xbf: {  	s30 =	sld [smem:$0x0];
	_ =	sdelay $0x2  }
0xc0: {  	s31 =	sshll.u32 s1, $0xD;
	s1 =	sshrl.u32 s1, $0x2  }
0xc1: {  	s3 =	sand.u32 $0x4000, s31;
	s1 =	sadd.s32 s1, s30  }
0xc2: {  	s0 =	sor.u32 s3, s0;
	s1 =	sshll.u32 s1, $0x11  }
0xc3: {  	s0 =	sor.u32 s1, s0  }
0xc4: {  	s0 =	sadd.s32 $0x8F2B, s0  }
0xc5: {  	[sflag:s0] =	ssyncadd.remote.s32 $0x1  }
0xc6: {  	_ =	sfence.sel $0xFFFF  }
0xc7: {  	[dreg:$0x0] =	wrdreg $0xFFFFFFFF;
	(pc) =	sbr.abs _section_cstart, $3  }
0xc8: {  	[dreg:$0x1] =	wrdreg $0xFFFFFFFF  }
0xc9: {  	_ =	task.clear_ibuf [dreg:s8], $0x2FFFF;
	_ =	strace $0x9FFFFFFF  }
0xca: {  	(tm) =	ssettm $0x7FFFFFFF  }
0xcb: {  	_ =	shalt  }
tec
execute0_lowered:
.L_overlay_start_1:
0x0: {  	(tag) =	ssettag $0x1  }
0x1: {  	s1 =	rddreg [dreg:$0x0]  }
0x2: {  	s5 =	rddreg [dreg:$0x1]  }
0x3: {  	s11 =	rddreg [dreg:$0x2]  }
0x4: {  	s3 =	rddreg [dreg:$0x3]  }
0x5: {  	s0 =	rddreg [dreg:$0x4];
	s2 =	stileid.u32  }
0x6: {  	s4 =	simm.s32 $0x0;
	s8 =	srdreg.scid;
	s6 =	smul.u32 $0x600, s2  }
0x7: {  	s16 =	simm.s32 $0x80;
	s17 =	simm.s32 $0x6000;
	s7 =	smul.u32 $0x480, s2  }
0x8: {  	s18 =	simm.s32 $0x1;
	s19 =	simm.s32 $0x2;
	s9 =	smul.u32 $0x13C00, s2  }
0x9: {  	[smem:$0x7FF] =	sst s4;
	s8 =	sand.u32 $0x1, s8;
	s12 =	smul.u32 $0x4F000, s2  }
0xa: {  	s30 =	sshll.u32 s2, $0x6;
	_ =	strace $0x80000047;
	s26 =	ssub.s32 $0x2, s8  }
0xb: {  	s31 =	smul.u32 $0x13C000, s8;
	p0 =	seq.s32 s8, $0x1;
	s10 =	sadd.s32 s6, s5  }
0xc: {  	s13 =	sadd.s32 s7, s5;
	s28 =	sshrl.u32 s9, $0x3;
	s14 =	sshrl.u32 s26, $0x1  }
0xd: {  	s29 =	sshrl.u32 s12, $0x2;
	s6 =	sor.u32 $0x1C03, s30;
	s5 =	sadd.s32 s28, s5  }
.Ltmp0:
0xe: {  	s14 =	ssub.s32 s26, s14;
	s15 =	sadd.s32 s29, s3;
	(pc) =	sbr.rel .LBB2_1-.Ltmp0, $4  }
0xf: {  	s7 =	sadd.s32 $0x9800, s10;
	s8 =	sadd.s32 $0x3800, s10;
	s12 =	sadd.s32 s9, s31  }
0x10: {  	s9 =	sadd.s32 $0xF800, s13;
	s10 =	sadd.s32 $0x14000, s13;
	s5 =	sadd.s32 $0x18800, s5  }
0x11: {  	s12 =	sshrl.u32 s12, $0x3;
	s13 =	sshrl.u32 s15, $0x3;
	s15 =	simm.s32 $0x3000  }
0x12: {  	s11 =	sadd.s32 s11, s12;
	s12 =	smax.u32 s14, $0x1;
	s14 =	simm.s32 $0x3  }
.LBB2_4:
0x13: {  	[tilespmem:s17], [sflag:$0x1] =	stream.indirect.gather [hbm4b:s1+s16], $0x80, s21, s16, $0xb8;
	[tilespmem:$0x1DC00] =	vst v63  }
0x14: {  	s20 =	simm.s32 $0x5D80  }
.LBB2_8:
0x15: {  	_ =	swait.ge [sflag:s18], $0x4000  }
0x16: {  	[sflag:s18] =	ssyncset.done $0x0  }
0x17: {  	[sflag:s18] =	ssyncadd.s32 $0xFFFFC000  }
0x18: {  	[spmem:s3] =	stream.indirect.scatter.add.f32 [tilespmem:s17], [sflag:$0x2], $0x80, s20, s16, $0xb8;
	[tilespmem:$0x1DC00] =	vst v63  }
0x19: {  	_ =	swait.ge [sflag:s19], $0x4000  }
0x1a: {  	s4 =	sadd.s32 $0x1, s4;
	[sflag:s19] =	ssyncset.done $0x0  }
0x1b: {  	p1 =	sne.s32 s4, s12;
	[sflag:s19] =	ssyncadd.s32 $0xFFFFC000  }
.Ltmp1:
0x1c: {  	[bflag:$0x0] =	sbarrier.arrive $0xFFFF;
	(pc) =	sbr.rel @!p1 .LBB2_9-.Ltmp1, $4  }
0x1d: {  	[hbm:s11], [sflag:s6] =	dma.local [spmem:s13], $0x2780  }
0x1e: {  	_ =	swait.ge [sflag:s14], $0x2780  }
0x1f: {  	[sflag:s14] =	ssyncset.done $0x0  }
0x20: {  	[sflag:s14] =	ssyncadd.s32 $0xFFFFD880  }
.LBB2_1:
0x21: {  	[spmem:s13], [sflag:s6] =	dma.local [hbm:s5], $0x2780  }
.Ltmp2:
0x22: {  	_ =	swait.ge [sflag:s14], $0x2780;
	(pc) =	sbr.rel @!p0 .LBB2_2-.Ltmp2, $4  }
0x23: {  	[sflag:s14] =	ssyncset.done $0x0  }
0x24: {  	[sflag:s14] =	ssyncadd.s32 $0xFFFFD880  }
0x25: {  	[bflag:$0x0] =	sbarrier.arrive $0xFFFF  }
0x26: {  	s20 =	simm.s32 $0x0  }
0x27: {  	[tilespmem:s20], [sflag:$0x3] =	stream.linear.gather [hbm4b:s9+s20], $0x2080, $0x38;
	[tilespmem:$0x1DC00] =	vst v63  }
0x28: {  	_ =	swait.ge [sflag:s14], $0x2080  }
0x29: {  	[sflag:s14] =	ssyncset.done $0x0  }
0x2a: {  	[sflag:s14] =	ssyncadd.s32 $0xFFFFDF80  }
0x2b: {  	[tilespmem:s15], [sflag:$0x3] =	stream.linear.gather [hbm4b:s10+s20], $0x2080, $0x38;
	[tilespmem:$0x1DC00] =	vst v63  }
0x2c: {  	_ =	swait.ge [sflag:s14], $0x2080  }
0x2d: {  	[sflag:s14] =	ssyncset.done $0x0  }
0x2e: {  	[sflag:s14] =	ssyncadd.s32 $0xFFFFDF80  }
0x2f: {  	[tilespmem:s17], [sflag:$0x1] =	stream.indirect.gather [hbm4b:s1+s16], $0x80, s20, s16, $0xb8;
	[tilespmem:$0x1DC00] =	vst v63  }
0x30: {  	_ =	swait.ge [sflag:s18], $0x4000  }
0x31: {  	[sflag:s18] =	ssyncset.done $0x0  }
0x32: {  	s31 =	simm.s32 $0x3000;
	[sflag:s18] =	ssyncadd.s32 $0xFFFFC000  }
0x33: {  	[spmem:s3] =	stream.indirect.scatter.add.f32 [tilespmem:s17], [sflag:$0x2], $0x80, s31, s16, $0xb8;
	[tilespmem:$0x1DC00] =	vst v63  }
0x34: {  	_ =	swait.ge [sflag:s19], $0x4000  }
0x35: {  	[sflag:s19] =	ssyncset.done $0x0  }
0x36: {  	s21 =	simm.s32 $0x80;
	s20 =	simm.s32 $0x200;
	[sflag:s19] =	ssyncadd.s32 $0xFFFFC000  }
.LBB2_6:
0x37: {  	[tilespmem:s17], [sflag:$0x1] =	stream.indirect.gather [hbm4b:s1+s16], $0x80, s21, s16, $0xb8;
	[tilespmem:$0x1DC00] =	vst v63  }
0x38: {  	s21 =	smov.u32 s20  }
0x39: {  	p1 =	sne.s32 s20, $0x7E00;
	s20 =	sadd.s32 $0x200, s20;
	_ =	swait.ge [sflag:s18], $0x4000  }
0x3a: {  	s21 =	sshra.s32 s21, $0x2;
	[sflag:s18] =	ssyncset.done $0x0  }
.Ltmp3:
0x3b: {  	s22 =	sadd.s32 $0x3000, s21;
	[sflag:s18] =	ssyncadd.s32 $0xFFFFC000;
	(pc) =	sbr.rel @p1 .LBB2_6-.Ltmp3, $4  }
0x3c: {  	[spmem:s3] =	stream.indirect.scatter.add.f32 [tilespmem:s17], [sflag:$0x2], $0x80, s22, s16, $0xb8;
	[tilespmem:$0x1DC00] =	vst v63  }
0x3d: {  	_ =	swait.ge [sflag:s19], $0x4000  }
0x3e: {  	[sflag:s19] =	ssyncset.done $0x0  }
0x3f: {  	s21 =	sadd.s32 $0x80, s21;
	[sflag:s19] =	ssyncadd.s32 $0xFFFFC000  }
.Ltmp4:
0x40: {  	(pc) =	sbr.rel .LBB2_8-.Ltmp4, $3  }
0x41: {  	_ =	sdelay $0x1  }
0x42: {  	[tilespmem:s17], [sflag:$0x1] =	stream.indirect.gather [hbm4b:s1+s16], $0x80, s21, s16, $0xb8;
	[tilespmem:$0x1DC00] =	vst v63  }
0x43: {  	s20 =	simm.s32 $0x5000  }
.LBB2_2:
0x44: {  	[tilespmem:s20], [sflag:$0x3] =	stream.linear.gather [hbm4b:s7+s20], $0x2E00, $0x38;
	[tilespmem:$0x1DC00] =	vst v63  }
0x45: {  	_ =	swait.ge [sflag:s14], $0x2E00  }
0x46: {  	[sflag:s14] =	ssyncset.done $0x0  }
0x47: {  	[sflag:s14] =	ssyncadd.s32 $0xFFFFD200  }
0x48: {  	[tilespmem:s15], [sflag:$0x3] =	stream.linear.gather [hbm4b:s8+s20], $0x2E00, $0x38;
	[tilespmem:$0x1DC00] =	vst v63  }
0x49: {  	_ =	swait.ge [sflag:s14], $0x2E00  }
0x4a: {  	[sflag:s14] =	ssyncset.done $0x0  }
0x4b: {  	[sflag:s14] =	ssyncadd.s32 $0xFFFFD200  }
0x4c: {  	[tilespmem:s17], [sflag:$0x1] =	stream.indirect.gather [hbm4b:s1+s16], $0x80, s20, s16, $0xb8;
	[tilespmem:$0x1DC00] =	vst v63  }
0x4d: {  	_ =	swait.ge [sflag:s18], $0x4000  }
0x4e: {  	p1 =	por $0x0, $0x0;
	[sflag:s18] =	ssyncset.done $0x0  }
.Ltmp5:
0x4f: {  	s31 =	simm.s32 $0x3000;
	[sflag:s18] =	ssyncadd.s32 $0xFFFFC000;
	(pc) =	sbr.rel @p1 .LBB2_4-.Ltmp5, $4  }
0x50: {  	[spmem:s3] =	stream.indirect.scatter.add.f32 [tilespmem:s17], [sflag:$0x2], $0x80, s31, s16, $0xb8;
	[tilespmem:$0x1DC00] =	vst v63  }
0x51: {  	_ =	swait.ge [sflag:s19], $0x4000  }
0x52: {  	[sflag:s19] =	ssyncset.done $0x0  }
0x53: {  	s21 =	simm.s32 $0x80;
	s20 =	simm.s32 $0x200;
	[sflag:s19] =	ssyncadd.s32 $0xFFFFC000  }
.LBB2_3:
0x54: {  	[tilespmem:s17], [sflag:$0x1] =	stream.indirect.gather [hbm4b:s1+s16], $0x80, s21, s16, $0xb8;
	[tilespmem:$0x1DC00] =	vst v63  }
0x55: {  	s21 =	smov.u32 s20  }
0x56: {  	p1 =	seq.s32 s20, $0xB400;
	s20 =	sadd.s32 $0x200, s20;
	_ =	swait.ge [sflag:s18], $0x4000  }
0x57: {  	s21 =	sshra.s32 s21, $0x2;
	[sflag:s18] =	ssyncset.done $0x0  }
.Ltmp6:
0x58: {  	s22 =	sadd.s32 $0x3000, s21;
	[sflag:s18] =	ssyncadd.s32 $0xFFFFC000;
	(pc) =	sbr.rel @!p1 .LBB2_3-.Ltmp6, $4  }
0x59: {  	[spmem:s3] =	stream.indirect.scatter.add.f32 [tilespmem:s17], [sflag:$0x2], $0x80, s22, s16, $0xb8;
	[tilespmem:$0x1DC00] =	vst v63  }
0x5a: {  	_ =	swait.ge [sflag:s19], $0x4000  }
0x5b: {  	[sflag:s19] =	ssyncset.done $0x0  }
0x5c: {  	s21 =	sadd.s32 $0x80, s21;
	[sflag:s19] =	ssyncadd.s32 $0xFFFFC000  }
.Ltmp7:
0x5d: {  	_ = 	snop;
	(pc) =	sbr.rel .LBB2_4-.Ltmp7, $1  }
0x5e: {  	_ =	sdelay $0x3  }
.LBB2_9:
0x5f: {  	_ =	sfence.sel $0x180000  }
0x60: {  	[bflag:$0x0] =	sbarrier.arrive $0xFFFF  }
0x61: {  	p0 =	sne.s32 s2, $0x0;
	_ =	strace $0x90000047  }
0x62: {  	s0 =	sadd.s32 @!p0 $0x100000, s0;
	[bflag:$0x2] =	sbarrier.arrive $0xFFFF  }
0x63: {  	[sflag:s0] =	ssyncadd.tile.s32 @!p0 $0x1;
	_ =	shalt  }
.Lfunc_end2:
_tile_overlayer_lowered:
.L_overlay_start_2:
0x64: {  	(tag) =	ssettag $0x2  }
0x65: {  	s0 =	rddreg [dreg:$0x0];
	s2 =	stileid.u32  }
0x66: {  	s1 =	rddreg [dreg:$0x1];
	p0 =	sne.s32 s2, $0x0  }
0x67: {  	s3 =	rddreg [dreg:$0x2];
	[bflag:$0x3] =	sbarrier.arrive $0xFFFF;
	s2 =	simm.s32 @!p0 $0x1C03  }
0x68: {  	[timem:s3], [sflag:s2] =	dma.local @!p0 [hbm:s0], s1  }
0x69: {  	s0 =	simm.s32 @!p0 $0x3  }
0x6a: {  	_ =	swait.ge @!p0 [sflag:s0], s1  }
0x6b: {  	s1 =	ssub.s32 @!p0 $0x0, s1;
	[sflag:s0] =	ssyncset.done @!p0 $0x0  }
0x6c: {  	[sflag:s0] =	ssyncadd.s32 @!p0 s1  }
0x6d: {  	[bflag:$0x3] =	sbarrier.arrive $0xFFFF  }
0x6e: {  	_ =	shalt  }

</sc_bundles>
